<compile_context>
chip_gen: v7x
topology: tpu7x:2x2x1
jax: 0.10.2.dev20260603
libtpu: 0.0.44.dev20260713+nightly
codegen_flags: <defaults>
</compile_context>

<pallas_src>
import jax
import jax.numpy as jnp
from jax import lax
from jax.experimental import pallas as pl
from jax.experimental.pallas import tpu as pltpu
from jax.experimental.pallas import tpu_sc as plsc

_N_SUITS = 4
_N_RANKS = 13
_N_VALS = _N_SUITS * _N_RANKS
_D = 64
_N_CARDS = 819200

_NC = 2
_NS = 16
_NW = _NC * _NS
_L = 16

_CHUNK = _N_CARDS // _NW
_UNROLL = 4
_NBUF = 2
_VECS = _CHUNK // _L


def _sc_body(cards_hbm, suit_hbm, rank_hbm, card_hbm, out_hbm,
             cards_v, suit_v, rank_v, card_v, partial_v,
             sem_a, sem_b, sem_t):
    wid = lax.axis_index("s") * _NC + lax.axis_index("c")
    base = wid * _CHUNK
    half = _CHUNK // 2

    cp_a = pltpu.async_copy(cards_hbm.at[pl.ds(base, half)],
                            cards_v.at[pl.ds(0, half)], sem_a)
    cp_b = pltpu.async_copy(cards_hbm.at[pl.ds(base + half, half)],
                            cards_v.at[pl.ds(half, half)], sem_b)
    cp_s = pltpu.async_copy(suit_hbm, suit_v, sem_t)
    cp_r = pltpu.async_copy(rank_hbm, rank_v, sem_t)
    cp_c = pltpu.async_copy(card_hbm, card_v, sem_t)

    def _hist(*count_bufs):
        lanes = lax.iota(jnp.int32, _L)
        ones = jnp.ones((_L,), jnp.float32)
        zeros = jnp.zeros((_L,), jnp.float32)

        @plsc.parallel_loop(0, _N_VALS)
        def _zero(c):
            for buf in count_bufs:
                buf[pl.ds(c * _L, _L)] = zeros

        def _half_hist(vec_base):
            @plsc.parallel_loop(0, _VECS // 2 // _UNROLL, unroll=2)
            def _hist_loop(i):
                start = vec_base + i * (_L * _UNROLL)
                for k in range(_UNROLL):
                    cv = cards_v[pl.ds(start + k * _L, _L)]
                    plsc.addupdate_scatter(count_bufs[k % _NBUF],
                                           [cv * _L + lanes], ones)

        cp_a.wait()
        _half_hist(0)
        cp_b.wait()
        _half_hist(half)
        cp_s.wait()
        cp_r.wait()
        cp_c.wait()

        nj = _D // _L
        suit_rows = [[suit_v[s, pl.ds(j * _L, _L)] for j in range(nj)]
                     for s in range(_N_SUITS)]

        def _fold(r, acc):
            rank_row = [rank_v[r, pl.ds(j * _L, _L)] for j in range(nj)]
            new = []
            for s in range(_N_SUITS):
                c = s * _N_RANKS + r
                lane_tot = count_bufs[0][pl.ds(c * _L, _L)]
                for buf in count_bufs[1:]:
                    lane_tot = lane_tot + buf[pl.ds(c * _L, _L)]
                w = jnp.sum(lane_tot)
                row = []
                for j in range(nj):
                    t = suit_rows[s][j] + rank_row[j] \
                        + card_v[c, pl.ds(j * _L, _L)]
                    row.append(acc[s * nj + j] + w * t)
                new.extend(row)
            return tuple(new)

        acc = lax.fori_loop(
            0, _N_RANKS, _fold,
            tuple(jnp.zeros((_L,), jnp.float32)
                  for _ in range(_N_SUITS * nj)))
        for j in range(nj):
            tot = acc[j]
            for s in range(1, _N_SUITS):
                tot = tot + acc[s * nj + j]
            partial_v[pl.ds(j * _L, _L)] = tot

    pl.run_scoped(_hist, *([pltpu.VMEM((_N_VALS * _L,), jnp.float32)] * _NBUF))
    pltpu.sync_copy(partial_v, out_hbm.at[wid])


@jax.jit
def kernel(cards, suit_embedding, rank_embedding, card_embedding):
    partials = pl.kernel(
        _sc_body,
        out_type=jax.ShapeDtypeStruct((_NW, _D), jnp.float32),
        mesh=plsc.VectorSubcoreMesh(core_axis_name="c", subcore_axis_name="s",
                                    num_cores=_NC, num_subcores=_NS),
        compiler_params=pltpu.CompilerParams(needs_layout_passes=False,
                                             skip_device_barrier=True),
        scratch_types=[
            pltpu.VMEM((_CHUNK,), jnp.int32),
            pltpu.VMEM((_N_SUITS, _D), jnp.float32),
            pltpu.VMEM((_N_RANKS, _D), jnp.float32),
            pltpu.VMEM((_N_VALS, _D), jnp.float32),
            pltpu.VMEM((_D,), jnp.float32),
            pltpu.SemaphoreType.DMA,
            pltpu.SemaphoreType.DMA,
            pltpu.SemaphoreType.DMA,
        ],
    )(cards, suit_embedding, rank_embedding, card_embedding)
    return jnp.sum(partials, axis=0)

# --- scband reference (transcript-rebuilt; emitter-appended) ---
"""Pipeline reference for scband-card-embedding-46050639348167 (READ-ONLY COPY).

The authoritative reference and input builder live on the scoring server;
editing this copy changes nothing except your own understanding.
"""

import jax, jax.numpy as jnp
import numpy as np

NUM_SUITS = 4
NUM_RANKS = 13
EMBED_DIM = 64
N_CARDS = 819200


def setup_inputs(seed: int = 0) -> dict:
    key = jax.random.key(seed)
    k1, k2, k3, k4 = jax.random.split(key, 4)
    # Integer card indices encode card = suit_index * 13 + rank_index, matching the
    # torch module's string->index conversion done in forward().
    cards = jax.random.randint(k1, (N_CARDS,), 0, NUM_SUITS * NUM_RANKS, dtype=jnp.int64 if jax.config.jax_enable_x64 else jnp.int32)
    suit_embedding = jax.random.normal(k2, (NUM_SUITS, EMBED_DIM), dtype=jnp.float32)
    rank_embedding = jax.random.normal(k3, (NUM_RANKS, EMBED_DIM), dtype=jnp.float32)
    card_embedding = jax.random.normal(k4, (NUM_SUITS * NUM_RANKS, EMBED_DIM), dtype=jnp.float32)
    return {
        "cards": cards,
        "suit_embedding": suit_embedding,
        "rank_embedding": rank_embedding,
        "card_embedding": card_embedding,
    }


def reference(cards, suit_embedding, rank_embedding, card_embedding):
    # card_ind = suit_index * 13 + rank_index  =>  invert:
    suit_indices = cards // NUM_RANKS
    rank_indices = cards % NUM_RANKS
    suit_e = jnp.take(suit_embedding, suit_indices, axis=0)
    rank_e = jnp.take(rank_embedding, rank_indices, axis=0)
    card_e = jnp.take(card_embedding, cards, axis=0)
    final_embeddings = suit_e + rank_e + card_e
    return jnp.sum(final_embeddings, axis=0)

if __name__ == "__main__":
    import jax
    _d = setup_inputs()
    print(jax.jit(kernel)(*tuple(_d.values())))

</pallas_src>

<mosaic_0001>
#map = affine_map<(d0, d1) -> (0)>
#map1 = affine_map<(d0, d1) -> (0, 0)>
module attributes {stable_mosaic.version = 14 : i64} {
  func.func @_sc_body(%arg0: i32, %arg1: i32, %arg2: memref<819200xi32, #tpu.memory_space<hbm>>, %arg3: memref<4x64xf32, #tpu.memory_space<hbm>>, %arg4: memref<13x64xf32, #tpu.memory_space<hbm>>, %arg5: memref<52x64xf32, #tpu.memory_space<hbm>>, %arg6: memref<32x64xf32, #tpu.memory_space<hbm>>, %arg7: memref<25600xi32, #tpu.memory_space<vmem>>, %arg8: memref<4x64xf32, #tpu.memory_space<vmem>>, %arg9: memref<13x64xf32, #tpu.memory_space<vmem>>, %arg10: memref<52x64xf32, #tpu.memory_space<vmem>>, %arg11: memref<64xf32, #tpu.memory_space<vmem>>, %arg12: memref<!tpu.dma_semaphore, #tpu.memory_space<semaphore_mem>>, %arg13: memref<!tpu.dma_semaphore, #tpu.memory_space<semaphore_mem>>, %arg14: memref<!tpu.dma_semaphore, #tpu.memory_space<semaphore_mem>>) attributes {dimension_semantics = [#tpu.dimension_semantics<core_parallel>, #tpu.dimension_semantics<subcore_parallel>], iteration_bounds = array<i64: 2, 16>, scalar_prefetch = 0 : i64, scratch_operands = 8 : i64, tpu.core_type = #tpu.core_type<sc_vector_subcore>, window_params = [{transform_indices = #map}, {transform_indices = #map1}, {transform_indices = #map1}, {transform_indices = #map1}, {transform_indices = #map1}]} {
    %mul3A = arith.constant 2 : i32
    %mul3A_0 = arith.muli %arg1, %mul3A : i32
    %add3A = arith.addi %mul3A_0, %arg0 : i32
    %mul3A_1 = arith.constant 25600 : i32
    %mul3A_2 = arith.muli %add3A, %mul3A_1 : i32
    %dma_start3A = arith.constant 0 : i32
    %dma_start3A_3 = tpu.memref_slice %arg7[%dma_start3A] : memref<25600xi32, #tpu.memory_space<vmem>> -> memref<12800xi32, #tpu.memory_space<vmem>>
    %dma_start3A_4 = tpu.memref_slice %arg2[%mul3A_2] : memref<819200xi32, #tpu.memory_space<hbm>> -> memref<12800xi32, #tpu.memory_space<hbm>>
    %dma_start3A_5 = arith.constant 0 : i32
    %dma_start3A_6 = tpu.memref_slice %arg7[%dma_start3A_5] : memref<25600xi32, #tpu.memory_space<vmem>> -> memref<12800xi32, #tpu.memory_space<vmem>>
    %dma_start3A_7 = tpu.memref_slice %arg2[%mul3A_2] : memref<819200xi32, #tpu.memory_space<hbm>> -> memref<12800xi32, #tpu.memory_space<hbm>>
    tpu.enqueue_dma source(%dma_start3A_7 : memref<12800xi32, #tpu.memory_space<hbm>>) target(%dma_start3A_6 : memref<12800xi32, #tpu.memory_space<vmem>>) target_semaphore(%arg12 : memref<!tpu.dma_semaphore, #tpu.memory_space<semaphore_mem>>)
    %add3A_8 = arith.constant 12800 : i32
    %add3A_9 = arith.addi %mul3A_2, %add3A_8 : i32
    %dma_start3A_10 = arith.constant 12800 : i32
    %dma_start3A_11 = tpu.memref_slice %arg7[%dma_start3A_10] : memref<25600xi32, #tpu.memory_space<vmem>> -> memref<12800xi32, #tpu.memory_space<vmem>>
    %dma_start3A_12 = tpu.memref_slice %arg2[%add3A_9] : memref<819200xi32, #tpu.memory_space<hbm>> -> memref<12800xi32, #tpu.memory_space<hbm>>
    %dma_start3A_13 = arith.constant 12800 : i32
    %dma_start3A_14 = tpu.memref_slice %arg7[%dma_start3A_13] : memref<25600xi32, #tpu.memory_space<vmem>> -> memref<12800xi32, #tpu.memory_space<vmem>>
    %dma_start3A_15 = tpu.memref_slice %arg2[%add3A_9] : memref<819200xi32, #tpu.memory_space<hbm>> -> memref<12800xi32, #tpu.memory_space<hbm>>
    tpu.enqueue_dma source(%dma_start3A_15 : memref<12800xi32, #tpu.memory_space<hbm>>) target(%dma_start3A_14 : memref<12800xi32, #tpu.memory_space<vmem>>) target_semaphore(%arg13 : memref<!tpu.dma_semaphore, #tpu.memory_space<semaphore_mem>>)
    tpu.enqueue_dma source(%arg3 : memref<4x64xf32, #tpu.memory_space<hbm>>) target(%arg8 : memref<4x64xf32, #tpu.memory_space<vmem>>) target_semaphore(%arg14 : memref<!tpu.dma_semaphore, #tpu.memory_space<semaphore_mem>>)
    tpu.enqueue_dma source(%arg4 : memref<13x64xf32, #tpu.memory_space<hbm>>) target(%arg9 : memref<13x64xf32, #tpu.memory_space<vmem>>) target_semaphore(%arg14 : memref<!tpu.dma_semaphore, #tpu.memory_space<semaphore_mem>>)
    tpu.enqueue_dma source(%arg5 : memref<52x64xf32, #tpu.memory_space<hbm>>) target(%arg10 : memref<52x64xf32, #tpu.memory_space<vmem>>) target_semaphore(%arg14 : memref<!tpu.dma_semaphore, #tpu.memory_space<semaphore_mem>>)
    "tpu.region"() ({
      %run_scoped3A = memref.alloca() : memref<832xf32, #tpu.memory_space<vmem>>
      %run_scoped3A_16 = memref.alloca() : memref<832xf32, #tpu.memory_space<vmem>>
      %iota3A = tpu.iota {dimensions = array<i32: 0>} : vector<16xi32>
      %broadcast_in_dim3A = arith.constant 1.000000e+00 : f32
      %broadcast_in_dim3A_17 = vector.broadcast %broadcast_in_dim3A : f32 to vector<16xf32>
      %broadcast_in_dim3A_18 = arith.constant 0.000000e+00 : f32
      %broadcast_in_dim3A_19 = vector.broadcast %broadcast_in_dim3A_18 : f32 to vector<16xf32>
      %parallel_loop3A = arith.constant 0 : i32
      %parallel_loop3A_20 = arith.constant 52 : i32
      %parallel_loop3A_21 = arith.constant 1 : i32
      scf.for %parallel_loop3A_158 = %parallel_loop3A to %parallel_loop3A_20 step %parallel_loop3A_21  : i32 {
        %parallel_loop3A_159 = arith.constant 16 : i32
        %parallel_loop3A_160 = arith.muli %parallel_loop3A_158, %parallel_loop3A_159 : i32
        %parallel_loop3A_161 = arith.index_cast %parallel_loop3A_160 : i32 to index
        %parallel_loop3A_162 = tpu.vector_load %run_scoped3A[%parallel_loop3A_161] {strides = array<i32>} : memref<832xf32, #tpu.memory_space<vmem>>, vector<16xf32>,
        tpu.vector_store %run_scoped3A[%parallel_loop3A_161], %broadcast_in_dim3A_19 {strides = array<i32>} : memref<832xf32, #tpu.memory_space<vmem>>, vector<16xf32>,
        %parallel_loop3A_163 = arith.constant 16 : i32
        %parallel_loop3A_164 = arith.muli %parallel_loop3A_158, %parallel_loop3A_163 : i32
        %parallel_loop3A_165 = arith.index_cast %parallel_loop3A_164 : i32 to index
        %parallel_loop3A_166 = tpu.vector_load %run_scoped3A_16[%parallel_loop3A_165] {strides = array<i32>} : memref<832xf32, #tpu.memory_space<vmem>>, vector<16xf32>,
        tpu.vector_store %run_scoped3A_16[%parallel_loop3A_165], %broadcast_in_dim3A_19 {strides = array<i32>} : memref<832xf32, #tpu.memory_space<vmem>>, vector<16xf32>,
      } {sc.loop_unroll_factor = 1 : i64, sc.parallel_access}
      %dma_wait3A = arith.constant 0 : i32
      %dma_wait3A_22 = tpu.memref_slice %arg7[%dma_wait3A] : memref<25600xi32, #tpu.memory_space<vmem>> -> memref<12800xi32, #tpu.memory_space<vmem>>
      %dma_wait3A_23 = tpu.memref_slice %arg2[%mul3A_2] : memref<819200xi32, #tpu.memory_space<hbm>> -> memref<12800xi32, #tpu.memory_space<hbm>>
      %dma_wait3A_24 = arith.constant 0 : i32
      %dma_wait3A_25 = tpu.memref_slice %arg7[%dma_wait3A_24] : memref<25600xi32, #tpu.memory_space<vmem>> -> memref<12800xi32, #tpu.memory_space<vmem>>
      %dma_wait3A_26 = tpu.memref_slice %arg2[%mul3A_2] : memref<819200xi32, #tpu.memory_space<hbm>> -> memref<12800xi32, #tpu.memory_space<hbm>>
      tpu.wait_dma2 semaphore(%arg12 : memref<!tpu.dma_semaphore, #tpu.memory_space<semaphore_mem>>) src(%dma_wait3A_26 : memref<12800xi32, #tpu.memory_space<hbm>>) dst(%dma_wait3A_25 : memref<12800xi32, #tpu.memory_space<vmem>>)
      %parallel_loop3A_27 = arith.constant 0 : i32
      %parallel_loop3A_28 = arith.constant 200 : i32
      %parallel_loop3A_29 = arith.constant 1 : i32
      scf.for %parallel_loop3A_158 = %parallel_loop3A_27 to %parallel_loop3A_28 step %parallel_loop3A_29  : i32 {
        %parallel_loop3A_159 = arith.constant 64 : i32
        %parallel_loop3A_160 = arith.muli %parallel_loop3A_158, %parallel_loop3A_159 : i32
        %parallel_loop3A_161 = arith.constant 0 : i32
        %parallel_loop3A_162 = arith.addi %parallel_loop3A_161, %parallel_loop3A_160 : i32
        %parallel_loop3A_163 = arith.constant 0 : i32
        %parallel_loop3A_164 = arith.addi %parallel_loop3A_162, %parallel_loop3A_163 : i32
        %parallel_loop3A_165 = arith.index_cast %parallel_loop3A_164 : i32 to index
        %parallel_loop3A_166 = tpu.vector_load %arg7[%parallel_loop3A_165] {strides = array<i32>} : memref<25600xi32, #tpu.memory_space<vmem>>, vector<16xi32>,
        %parallel_loop3A_167 = arith.constant 16 : i32
        %parallel_loop3A_168 = vector.broadcast %parallel_loop3A_167 : i32 to vector<16xi32>
        %parallel_loop3A_169 = arith.muli %parallel_loop3A_166, %parallel_loop3A_168 : vector<16xi32>
        %parallel_loop3A_170 = arith.addi %parallel_loop3A_169, %iota3A : vector<16xi32>
        tpu.vector_store_idx %run_scoped3A[%parallel_loop3A_170], %broadcast_in_dim3A_17 {add = true} : memref<832xf32, #tpu.memory_space<vmem>>[vector<16xi32>], vector<16xf32>,
        %parallel_loop3A_171 = arith.constant 16 : i32
        %parallel_loop3A_172 = arith.addi %parallel_loop3A_162, %parallel_loop3A_171 : i32
        %parallel_loop3A_173 = arith.index_cast %parallel_loop3A_172 : i32 to index
        %parallel_loop3A_174 = tpu.vector_load %arg7[%parallel_loop3A_173] {strides = array<i32>} : memref<25600xi32, #tpu.memory_space<vmem>>, vector<16xi32>,
        %parallel_loop3A_175 = arith.constant 16 : i32
        %parallel_loop3A_176 = vector.broadcast %parallel_loop3A_175 : i32 to vector<16xi32>
        %parallel_loop3A_177 = arith.muli %parallel_loop3A_174, %parallel_loop3A_176 : vector<16xi32>
        %parallel_loop3A_178 = arith.addi %parallel_loop3A_177, %iota3A : vector<16xi32>
        tpu.vector_store_idx %run_scoped3A_16[%parallel_loop3A_178], %broadcast_in_dim3A_17 {add = true} : memref<832xf32, #tpu.memory_space<vmem>>[vector<16xi32>], vector<16xf32>,
        %parallel_loop3A_179 = arith.constant 32 : i32
        %parallel_loop3A_180 = arith.addi %parallel_loop3A_162, %parallel_loop3A_179 : i32
        %parallel_loop3A_181 = arith.index_cast %parallel_loop3A_180 : i32 to index
        %parallel_loop3A_182 = tpu.vector_load %arg7[%parallel_loop3A_181] {strides = array<i32>} : memref<25600xi32, #tpu.memory_space<vmem>>, vector<16xi32>,
        %parallel_loop3A_183 = arith.constant 16 : i32
        %parallel_loop3A_184 = vector.broadcast %parallel_loop3A_183 : i32 to vector<16xi32>
        %parallel_loop3A_185 = arith.muli %parallel_loop3A_182, %parallel_loop3A_184 : vector<16xi32>
        %parallel_loop3A_186 = arith.addi %parallel_loop3A_185, %iota3A : vector<16xi32>
        tpu.vector_store_idx %run_scoped3A[%parallel_loop3A_186], %broadcast_in_dim3A_17 {add = true} : memref<832xf32, #tpu.memory_space<vmem>>[vector<16xi32>], vector<16xf32>,
        %parallel_loop3A_187 = arith.constant 48 : i32
        %parallel_loop3A_188 = arith.addi %parallel_loop3A_162, %parallel_loop3A_187 : i32
        %parallel_loop3A_189 = arith.index_cast %parallel_loop3A_188 : i32 to index
        %parallel_loop3A_190 = tpu.vector_load %arg7[%parallel_loop3A_189] {strides = array<i32>} : memref<25600xi32, #tpu.memory_space<vmem>>, vector<16xi32>,
        %parallel_loop3A_191 = arith.constant 16 : i32
        %parallel_loop3A_192 = vector.broadcast %parallel_loop3A_191 : i32 to vector<16xi32>
        %parallel_loop3A_193 = arith.muli %parallel_loop3A_190, %parallel_loop3A_192 : vector<16xi32>
        %parallel_loop3A_194 = arith.addi %parallel_loop3A_193, %iota3A : vector<16xi32>
        tpu.vector_store_idx %run_scoped3A_16[%parallel_loop3A_194], %broadcast_in_dim3A_17 {add = true} : memref<832xf32, #tpu.memory_space<vmem>>[vector<16xi32>], vector<16xf32>,
      } {sc.loop_unroll_factor = 2 : i64, sc.parallel_access}
      %dma_wait3A_30 = arith.constant 12800 : i32
      %dma_wait3A_31 = tpu.memref_slice %arg7[%dma_wait3A_30] : memref<25600xi32, #tpu.memory_space<vmem>> -> memref<12800xi32, #tpu.memory_space<vmem>>
      %dma_wait3A_32 = tpu.memref_slice %arg2[%add3A_9] : memref<819200xi32, #tpu.memory_space<hbm>> -> memref<12800xi32, #tpu.memory_space<hbm>>
      %dma_wait3A_33 = arith.constant 12800 : i32
      %dma_wait3A_34 = tpu.memref_slice %arg7[%dma_wait3A_33] : memref<25600xi32, #tpu.memory_space<vmem>> -> memref<12800xi32, #tpu.memory_space<vmem>>
      %dma_wait3A_35 = tpu.memref_slice %arg2[%add3A_9] : memref<819200xi32, #tpu.memory_space<hbm>> -> memref<12800xi32, #tpu.memory_space<hbm>>
      tpu.wait_dma2 semaphore(%arg13 : memref<!tpu.dma_semaphore, #tpu.memory_space<semaphore_mem>>) src(%dma_wait3A_35 : memref<12800xi32, #tpu.memory_space<hbm>>) dst(%dma_wait3A_34 : memref<12800xi32, #tpu.memory_space<vmem>>)
      %parallel_loop3A_36 = arith.constant 0 : i32
      %parallel_loop3A_37 = arith.constant 200 : i32
      %parallel_loop3A_38 = arith.constant 1 : i32
      scf.for %parallel_loop3A_158 = %parallel_loop3A_36 to %parallel_loop3A_37 step %parallel_loop3A_38  : i32 {
        %parallel_loop3A_159 = arith.constant 64 : i32
        %parallel_loop3A_160 = arith.muli %parallel_loop3A_158, %parallel_loop3A_159 : i32
        %parallel_loop3A_161 = arith.constant 12800 : i32
        %parallel_loop3A_162 = arith.addi %parallel_loop3A_161, %parallel_loop3A_160 : i32
        %parallel_loop3A_163 = arith.constant 0 : i32
        %parallel_loop3A_164 = arith.addi %parallel_loop3A_162, %parallel_loop3A_163 : i32
        %parallel_loop3A_165 = arith.index_cast %parallel_loop3A_164 : i32 to index
        %parallel_loop3A_166 = tpu.vector_load %arg7[%parallel_loop3A_165] {strides = array<i32>} : memref<25600xi32, #tpu.memory_space<vmem>>, vector<16xi32>,
        %parallel_loop3A_167 = arith.constant 16 : i32
        %parallel_loop3A_168 = vector.broadcast %parallel_loop3A_167 : i32 to vector<16xi32>
        %parallel_loop3A_169 = arith.muli %parallel_loop3A_166, %parallel_loop3A_168 : vector<16xi32>
        %parallel_loop3A_170 = arith.addi %parallel_loop3A_169, %iota3A : vector<16xi32>
        tpu.vector_store_idx %run_scoped3A[%parallel_loop3A_170], %broadcast_in_dim3A_17 {add = true} : memref<832xf32, #tpu.memory_space<vmem>>[vector<16xi32>], vector<16xf32>,
        %parallel_loop3A_171 = arith.constant 16 : i32
        %parallel_loop3A_172 = arith.addi %parallel_loop3A_162, %parallel_loop3A_171 : i32
        %parallel_loop3A_173 = arith.index_cast %parallel_loop3A_172 : i32 to index
        %parallel_loop3A_174 = tpu.vector_load %arg7[%parallel_loop3A_173] {strides = array<i32>} : memref<25600xi32, #tpu.memory_space<vmem>>, vector<16xi32>,
        %parallel_loop3A_175 = arith.constant 16 : i32
        %parallel_loop3A_176 = vector.broadcast %parallel_loop3A_175 : i32 to vector<16xi32>
        %parallel_loop3A_177 = arith.muli %parallel_loop3A_174, %parallel_loop3A_176 : vector<16xi32>
        %parallel_loop3A_178 = arith.addi %parallel_loop3A_177, %iota3A : vector<16xi32>
        tpu.vector_store_idx %run_scoped3A_16[%parallel_loop3A_178], %broadcast_in_dim3A_17 {add = true} : memref<832xf32, #tpu.memory_space<vmem>>[vector<16xi32>], vector<16xf32>,
        %parallel_loop3A_179 = arith.constant 32 : i32
        %parallel_loop3A_180 = arith.addi %parallel_loop3A_162, %parallel_loop3A_179 : i32
        %parallel_loop3A_181 = arith.index_cast %parallel_loop3A_180 : i32 to index
        %parallel_loop3A_182 = tpu.vector_load %arg7[%parallel_loop3A_181] {strides = array<i32>} : memref<25600xi32, #tpu.memory_space<vmem>>, vector<16xi32>,
        %parallel_loop3A_183 = arith.constant 16 : i32
        %parallel_loop3A_184 = vector.broadcast %parallel_loop3A_183 : i32 to vector<16xi32>
        %parallel_loop3A_185 = arith.muli %parallel_loop3A_182, %parallel_loop3A_184 : vector<16xi32>
        %parallel_loop3A_186 = arith.addi %parallel_loop3A_185, %iota3A : vector<16xi32>
        tpu.vector_store_idx %run_scoped3A[%parallel_loop3A_186], %broadcast_in_dim3A_17 {add = true} : memref<832xf32, #tpu.memory_space<vmem>>[vector<16xi32>], vector<16xf32>,
        %parallel_loop3A_187 = arith.constant 48 : i32
        %parallel_loop3A_188 = arith.addi %parallel_loop3A_162, %parallel_loop3A_187 : i32
        %parallel_loop3A_189 = arith.index_cast %parallel_loop3A_188 : i32 to index
        %parallel_loop3A_190 = tpu.vector_load %arg7[%parallel_loop3A_189] {strides = array<i32>} : memref<25600xi32, #tpu.memory_space<vmem>>, vector<16xi32>,
        %parallel_loop3A_191 = arith.constant 16 : i32
        %parallel_loop3A_192 = vector.broadcast %parallel_loop3A_191 : i32 to vector<16xi32>
        %parallel_loop3A_193 = arith.muli %parallel_loop3A_190, %parallel_loop3A_192 : vector<16xi32>
        %parallel_loop3A_194 = arith.addi %parallel_loop3A_193, %iota3A : vector<16xi32>
        tpu.vector_store_idx %run_scoped3A_16[%parallel_loop3A_194], %broadcast_in_dim3A_17 {add = true} : memref<832xf32, #tpu.memory_space<vmem>>[vector<16xi32>], vector<16xf32>,
      } {sc.loop_unroll_factor = 2 : i64, sc.parallel_access}
      tpu.wait_dma2 semaphore(%arg14 : memref<!tpu.dma_semaphore, #tpu.memory_space<semaphore_mem>>) src(%arg3 : memref<4x64xf32, #tpu.memory_space<hbm>>) dst(%arg8 : memref<4x64xf32, #tpu.memory_space<vmem>>)
      tpu.wait_dma2 semaphore(%arg14 : memref<!tpu.dma_semaphore, #tpu.memory_space<semaphore_mem>>) src(%arg4 : memref<13x64xf32, #tpu.memory_space<hbm>>) dst(%arg9 : memref<13x64xf32, #tpu.memory_space<vmem>>)
      tpu.wait_dma2 semaphore(%arg14 : memref<!tpu.dma_semaphore, #tpu.memory_space<semaphore_mem>>) src(%arg5 : memref<52x64xf32, #tpu.memory_space<hbm>>) dst(%arg10 : memref<52x64xf32, #tpu.memory_space<vmem>>)
      %get3A = arith.constant 0 : i32
      %get3A_39 = arith.index_cast %get3A : i32 to index
      %get3A_40 = arith.constant 0 : index
      %get3A_41 = tpu.vector_load %arg8[%get3A_39, %get3A_40] {strides = array<i32>} : memref<4x64xf32, #tpu.memory_space<vmem>>, vector<16xf32>,
      %get3A_42 = arith.constant 0 : i32
      %get3A_43 = arith.index_cast %get3A_42 : i32 to index
      %get3A_44 = arith.constant 16 : index
      %get3A_45 = tpu.vector_load %arg8[%get3A_43, %get3A_44] {strides = array<i32>} : memref<4x64xf32, #tpu.memory_space<vmem>>, vector<16xf32>,
      %get3A_46 = arith.constant 0 : i32
      %get3A_47 = arith.index_cast %get3A_46 : i32 to index
      %get3A_48 = arith.constant 32 : index
      %get3A_49 = tpu.vector_load %arg8[%get3A_47, %get3A_48] {strides = array<i32>} : memref<4x64xf32, #tpu.memory_space<vmem>>, vector<16xf32>,
      %get3A_50 = arith.constant 0 : i32
      %get3A_51 = arith.index_cast %get3A_50 : i32 to index
      %get3A_52 = arith.constant 48 : index
      %get3A_53 = tpu.vector_load %arg8[%get3A_51, %get3A_52] {strides = array<i32>} : memref<4x64xf32, #tpu.memory_space<vmem>>, vector<16xf32>,
      %get3A_54 = arith.constant 1 : i32
      %get3A_55 = arith.index_cast %get3A_54 : i32 to index
      %get3A_56 = arith.constant 0 : index
      %get3A_57 = tpu.vector_load %arg8[%get3A_55, %get3A_56] {strides = array<i32>} : memref<4x64xf32, #tpu.memory_space<vmem>>, vector<16xf32>,
      %get3A_58 = arith.constant 1 : i32
      %get3A_59 = arith.index_cast %get3A_58 : i32 to index
      %get3A_60 = arith.constant 16 : index
      %get3A_61 = tpu.vector_load %arg8[%get3A_59, %get3A_60] {strides = array<i32>} : memref<4x64xf32, #tpu.memory_space<vmem>>, vector<16xf32>,
      %get3A_62 = arith.constant 1 : i32
      %get3A_63 = arith.index_cast %get3A_62 : i32 to index
      %get3A_64 = arith.constant 32 : index
      %get3A_65 = tpu.vector_load %arg8[%get3A_63, %get3A_64] {strides = array<i32>} : memref<4x64xf32, #tpu.memory_space<vmem>>, vector<16xf32>,
      %get3A_66 = arith.constant 1 : i32
      %get3A_67 = arith.index_cast %get3A_66 : i32 to index
      %get3A_68 = arith.constant 48 : index
      %get3A_69 = tpu.vector_load %arg8[%get3A_67, %get3A_68] {strides = array<i32>} : memref<4x64xf32, #tpu.memory_space<vmem>>, vector<16xf32>,
      %get3A_70 = arith.constant 2 : i32
      %get3A_71 = arith.index_cast %get3A_70 : i32 to index
      %get3A_72 = arith.constant 0 : index
      %get3A_73 = tpu.vector_load %arg8[%get3A_71, %get3A_72] {strides = array<i32>} : memref<4x64xf32, #tpu.memory_space<vmem>>, vector<16xf32>,
      %get3A_74 = arith.constant 2 : i32
      %get3A_75 = arith.index_cast %get3A_74 : i32 to index
      %get3A_76 = arith.constant 16 : index
      %get3A_77 = tpu.vector_load %arg8[%get3A_75, %get3A_76] {strides = array<i32>} : memref<4x64xf32, #tpu.memory_space<vmem>>, vector<16xf32>,
      %get3A_78 = arith.constant 2 : i32
      %get3A_79 = arith.index_cast %get3A_78 : i32 to index
      %get3A_80 = arith.constant 32 : index
      %get3A_81 = tpu.vector_load %arg8[%get3A_79, %get3A_80] {strides = array<i32>} : memref<4x64xf32, #tpu.memory_space<vmem>>, vector<16xf32>,
      %get3A_82 = arith.constant 2 : i32
      %get3A_83 = arith.index_cast %get3A_82 : i32 to index
      %get3A_84 = arith.constant 48 : index
      %get3A_85 = tpu.vector_load %arg8[%get3A_83, %get3A_84] {strides = array<i32>} : memref<4x64xf32, #tpu.memory_space<vmem>>, vector<16xf32>,
      %get3A_86 = arith.constant 3 : i32
      %get3A_87 = arith.index_cast %get3A_86 : i32 to index
      %get3A_88 = arith.constant 0 : index
      %get3A_89 = tpu.vector_load %arg8[%get3A_87, %get3A_88] {strides = array<i32>} : memref<4x64xf32, #tpu.memory_space<vmem>>, vector<16xf32>,
      %get3A_90 = arith.constant 3 : i32
      %get3A_91 = arith.index_cast %get3A_90 : i32 to index
      %get3A_92 = arith.constant 16 : index
      %get3A_93 = tpu.vector_load %arg8[%get3A_91, %get3A_92] {strides = array<i32>} : memref<4x64xf32, #tpu.memory_space<vmem>>, vector<16xf32>,
      %get3A_94 = arith.constant 3 : i32
      %get3A_95 = arith.index_cast %get3A_94 : i32 to index
      %get3A_96 = arith.constant 32 : index
      %get3A_97 = tpu.vector_load %arg8[%get3A_95, %get3A_96] {strides = array<i32>} : memref<4x64xf32, #tpu.memory_space<vmem>>, vector<16xf32>,
      %get3A_98 = arith.constant 3 : i32
      %get3A_99 = arith.index_cast %get3A_98 : i32 to index
      %get3A_100 = arith.constant 48 : index
      %get3A_101 = tpu.vector_load %arg8[%get3A_99, %get3A_100] {strides = array<i32>} : memref<4x64xf32, #tpu.memory_space<vmem>>, vector<16xf32>,
      %broadcast_in_dim3A_102 = arith.constant 0.000000e+00 : f32
      %broadcast_in_dim3A_103 = vector.broadcast %broadcast_in_dim3A_102 : f32 to vector<16xf32>
      %broadcast_in_dim3A_104 = arith.constant 0.000000e+00 : f32
      %broadcast_in_dim3A_105 = vector.broadcast %broadcast_in_dim3A_104 : f32 to vector<16xf32>
      %broadcast_in_dim3A_106 = arith.constant 0.000000e+00 : f32
      %broadcast_in_dim3A_107 = vector.broadcast %broadcast_in_dim3A_106 : f32 to vector<16xf32>
      %broadcast_in_dim3A_108 = arith.constant 0.000000e+00 : f32
      %broadcast_in_dim3A_109 = vector.broadcast %broadcast_in_dim3A_108 : f32 to vector<16xf32>
      %broadcast_in_dim3A_110 = arith.constant 0.000000e+00 : f32
      %broadcast_in_dim3A_111 = vector.broadcast %broadcast_in_dim3A_110 : f32 to vector<16xf32>
      %broadcast_in_dim3A_112 = arith.constant 0.000000e+00 : f32
      %broadcast_in_dim3A_113 = vector.broadcast %broadcast_in_dim3A_112 : f32 to vector<16xf32>
      %broadcast_in_dim3A_114 = arith.constant 0.000000e+00 : f32
      %broadcast_in_dim3A_115 = vector.broadcast %broadcast_in_dim3A_114 : f32 to vector<16xf32>
      %broadcast_in_dim3A_116 = arith.constant 0.000000e+00 : f32
      %broadcast_in_dim3A_117 = vector.broadcast %broadcast_in_dim3A_116 : f32 to vector<16xf32>
      %broadcast_in_dim3A_118 = arith.constant 0.000000e+00 : f32
      %broadcast_in_dim3A_119 = vector.broadcast %broadcast_in_dim3A_118 : f32 to vector<16xf32>
      %broadcast_in_dim3A_120 = arith.constant 0.000000e+00 : f32
      %broadcast_in_dim3A_121 = vector.broadcast %broadcast_in_dim3A_120 : f32 to vector<16xf32>
      %broadcast_in_dim3A_122 = arith.constant 0.000000e+00 : f32
      %broadcast_in_dim3A_123 = vector.broadcast %broadcast_in_dim3A_122 : f32 to vector<16xf32>
      %broadcast_in_dim3A_124 = arith.constant 0.000000e+00 : f32
      %broadcast_in_dim3A_125 = vector.broadcast %broadcast_in_dim3A_124 : f32 to vector<16xf32>
      %broadcast_in_dim3A_126 = arith.constant 0.000000e+00 : f32
      %broadcast_in_dim3A_127 = vector.broadcast %broadcast_in_dim3A_126 : f32 to vector<16xf32>
      %broadcast_in_dim3A_128 = arith.constant 0.000000e+00 : f32
      %broadcast_in_dim3A_129 = vector.broadcast %broadcast_in_dim3A_128 : f32 to vector<16xf32>
      %broadcast_in_dim3A_130 = arith.constant 0.000000e+00 : f32
      %broadcast_in_dim3A_131 = vector.broadcast %broadcast_in_dim3A_130 : f32 to vector<16xf32>
      %broadcast_in_dim3A_132 = arith.constant 0.000000e+00 : f32
      %broadcast_in_dim3A_133 = vector.broadcast %broadcast_in_dim3A_132 : f32 to vector<16xf32>
      %scan3A = arith.constant 0 : i32
      %scan3A_134 = arith.constant 13 : i32
      %scan3A_135 = arith.addi %scan3A, %scan3A_134 : i32
      %scan3A_136 = arith.constant 1 : i32
      %scan3A_137:16 = scf.for %scan3A_158 = %scan3A to %scan3A_135 step %scan3A_136 iter_args(%scan3A_159 = %broadcast_in_dim3A_103, %scan3A_160 = %broadcast_in_dim3A_105, %scan3A_161 = %broadcast_in_dim3A_107, %scan3A_162 = %broadcast_in_dim3A_109, %scan3A_163 = %broadcast_in_dim3A_111, %scan3A_164 = %broadcast_in_dim3A_113, %scan3A_165 = %broadcast_in_dim3A_115, %scan3A_166 = %broadcast_in_dim3A_117, %scan3A_167 = %broadcast_in_dim3A_119, %scan3A_168 = %broadcast_in_dim3A_121, %scan3A_169 = %broadcast_in_dim3A_123, %scan3A_170 = %broadcast_in_dim3A_125, %scan3A_171 = %broadcast_in_dim3A_127, %scan3A_172 = %broadcast_in_dim3A_129, %scan3A_173 = %broadcast_in_dim3A_131, %scan3A_174 = %broadcast_in_dim3A_133) -> (vector<16xf32>, vector<16xf32>, vector<16xf32>, vector<16xf32>, vector<16xf32>, vector<16xf32>, vector<16xf32>, vector<16xf32>, vector<16xf32>, vector<16xf32>, vector<16xf32>, vector<16xf32>, vector<16xf32>, vector<16xf32>, vector<16xf32>, vector<16xf32>)  : i32 {
        %get3A_175 = arith.index_cast %scan3A_158 : i32 to index
        %get3A_176 = arith.constant 0 : index
        %get3A_177 = tpu.vector_load %arg9[%get3A_175, %get3A_176] {strides = array<i32>} : memref<13x64xf32, #tpu.memory_space<vmem>>, vector<16xf32>,
        %get3A_178 = arith.index_cast %scan3A_158 : i32 to index
        %get3A_179 = arith.constant 16 : index
        %get3A_180 = tpu.vector_load %arg9[%get3A_178, %get3A_179] {strides = array<i32>} : memref<13x64xf32, #tpu.memory_space<vmem>>, vector<16xf32>,
        %get3A_181 = arith.index_cast %scan3A_158 : i32 to index
        %get3A_182 = arith.constant 32 : index
        %get3A_183 = tpu.vector_load %arg9[%get3A_181, %get3A_182] {strides = array<i32>} : memref<13x64xf32, #tpu.memory_space<vmem>>, vector<16xf32>,
        %get3A_184 = arith.index_cast %scan3A_158 : i32 to index
        %get3A_185 = arith.constant 48 : index
        %get3A_186 = tpu.vector_load %arg9[%get3A_184, %get3A_185] {strides = array<i32>} : memref<13x64xf32, #tpu.memory_space<vmem>>, vector<16xf32>,
        %add3A_187 = arith.constant 0 : i32
        %add3A_188 = arith.addi %add3A_187, %scan3A_158 : i32
        %mul3A_189 = arith.constant 16 : i32
        %mul3A_190 = arith.muli %add3A_188, %mul3A_189 : i32
        %get3A_191 = arith.index_cast %mul3A_190 : i32 to index
        %get3A_192 = tpu.vector_load %run_scoped3A[%get3A_191] {strides = array<i32>} : memref<832xf32, #tpu.memory_space<vmem>>, vector<16xf32>,
        %mul3A_193 = arith.constant 16 : i32
        %mul3A_194 = arith.muli %add3A_188, %mul3A_193 : i32
        %get3A_195 = arith.index_cast %mul3A_194 : i32 to index
        %get3A_196 = tpu.vector_load %run_scoped3A_16[%get3A_195] {strides = array<i32>} : memref<832xf32, #tpu.memory_space<vmem>>, vector<16xf32>,
        %add3A_197 = arith.addf %get3A_192, %get3A_196 : vector<16xf32>
        %reduce_sum3A = arith.constant true
        %reduce_sum3A_198 = vector.broadcast %reduce_sum3A : i1 to vector<16xi1>
        %reduce_sum3A_199 = tpu.scan <sum>, %add3A_197 masked %reduce_sum3A_198 : vector<16xf32>, vector<16xi1> -> vector<16xf32>
        %reduce_sum3A_200 = vector.extract %reduce_sum3A_199[15] : f32 from vector<16xf32>
        %add3A_201 = arith.addf %get3A_41, %get3A_177 : vector<16xf32>
        %get3A_202 = arith.index_cast %add3A_188 : i32 to index
        %get3A_203 = arith.constant 0 : index
        %get3A_204 = tpu.vector_load %arg10[%get3A_202, %get3A_203] {strides = array<i32>} : memref<52x64xf32, #tpu.memory_space<vmem>>, vector<16xf32>,
        %add3A_205 = arith.addf %add3A_201, %get3A_204 : vector<16xf32>
        %mul3A_206 = vector.broadcast %reduce_sum3A_200 : f32 to vector<16xf32>
        %mul3A_207 = arith.mulf %mul3A_206, %add3A_205 : vector<16xf32>
        %add3A_208 = arith.addf %scan3A_159, %mul3A_207 : vector<16xf32>
        %add3A_209 = arith.addf %get3A_45, %get3A_180 : vector<16xf32>
        %get3A_210 = arith.index_cast %add3A_188 : i32 to index
        %get3A_211 = arith.constant 16 : index
        %get3A_212 = tpu.vector_load %arg10[%get3A_210, %get3A_211] {strides = array<i32>} : memref<52x64xf32, #tpu.memory_space<vmem>>, vector<16xf32>,
        %add3A_213 = arith.addf %add3A_209, %get3A_212 : vector<16xf32>
        %mul3A_214 = vector.broadcast %reduce_sum3A_200 : f32 to vector<16xf32>
        %mul3A_215 = arith.mulf %mul3A_214, %add3A_213 : vector<16xf32>
        %add3A_216 = arith.addf %scan3A_160, %mul3A_215 : vector<16xf32>
        %add3A_217 = arith.addf %get3A_49, %get3A_183 : vector<16xf32>
        %get3A_218 = arith.index_cast %add3A_188 : i32 to index
        %get3A_219 = arith.constant 32 : index
        %get3A_220 = tpu.vector_load %arg10[%get3A_218, %get3A_219] {strides = array<i32>} : memref<52x64xf32, #tpu.memory_space<vmem>>, vector<16xf32>,
        %add3A_221 = arith.addf %add3A_217, %get3A_220 : vector<16xf32>
        %mul3A_222 = vector.broadcast %reduce_sum3A_200 : f32 to vector<16xf32>
        %mul3A_223 = arith.mulf %mul3A_222, %add3A_221 : vector<16xf32>
        %add3A_224 = arith.addf %scan3A_161, %mul3A_223 : vector<16xf32>
        %add3A_225 = arith.addf %get3A_53, %get3A_186 : vector<16xf32>
        %get3A_226 = arith.index_cast %add3A_188 : i32 to index
        %get3A_227 = arith.constant 48 : index
        %get3A_228 = tpu.vector_load %arg10[%get3A_226, %get3A_227] {strides = array<i32>} : memref<52x64xf32, #tpu.memory_space<vmem>>, vector<16xf32>,
        %add3A_229 = arith.addf %add3A_225, %get3A_228 : vector<16xf32>
        %mul3A_230 = vector.broadcast %reduce_sum3A_200 : f32 to vector<16xf32>
        %mul3A_231 = arith.mulf %mul3A_230, %add3A_229 : vector<16xf32>
        %add3A_232 = arith.addf %scan3A_162, %mul3A_231 : vector<16xf32>
        %add3A_233 = arith.constant 13 : i32
        %add3A_234 = arith.addi %add3A_233, %scan3A_158 : i32
        %mul3A_235 = arith.constant 16 : i32
        %mul3A_236 = arith.muli %add3A_234, %mul3A_235 : i32
        %get3A_237 = arith.index_cast %mul3A_236 : i32 to index
        %get3A_238 = tpu.vector_load %run_scoped3A[%get3A_237] {strides = array<i32>} : memref<832xf32, #tpu.memory_space<vmem>>, vector<16xf32>,
        %mul3A_239 = arith.constant 16 : i32
        %mul3A_240 = arith.muli %add3A_234, %mul3A_239 : i32
        %get3A_241 = arith.index_cast %mul3A_240 : i32 to index
        %get3A_242 = tpu.vector_load %run_scoped3A_16[%get3A_241] {strides = array<i32>} : memref<832xf32, #tpu.memory_space<vmem>>, vector<16xf32>,
        %add3A_243 = arith.addf %get3A_238, %get3A_242 : vector<16xf32>
        %reduce_sum3A_244 = arith.constant true
        %reduce_sum3A_245 = vector.broadcast %reduce_sum3A_244 : i1 to vector<16xi1>
        %reduce_sum3A_246 = tpu.scan <sum>, %add3A_243 masked %reduce_sum3A_245 : vector<16xf32>, vector<16xi1> -> vector<16xf32>
        %reduce_sum3A_247 = vector.extract %reduce_sum3A_246[15] : f32 from vector<16xf32>
        %add3A_248 = arith.addf %get3A_57, %get3A_177 : vector<16xf32>
        %get3A_249 = arith.index_cast %add3A_234 : i32 to index
        %get3A_250 = arith.constant 0 : index
        %get3A_251 = tpu.vector_load %arg10[%get3A_249, %get3A_250] {strides = array<i32>} : memref<52x64xf32, #tpu.memory_space<vmem>>, vector<16xf32>,
        %add3A_252 = arith.addf %add3A_248, %get3A_251 : vector<16xf32>
        %mul3A_253 = vector.broadcast %reduce_sum3A_247 : f32 to vector<16xf32>
        %mul3A_254 = arith.mulf %mul3A_253, %add3A_252 : vector<16xf32>
        %add3A_255 = arith.addf %scan3A_163, %mul3A_254 : vector<16xf32>
        %add3A_256 = arith.addf %get3A_61, %get3A_180 : vector<16xf32>
        %get3A_257 = arith.index_cast %add3A_234 : i32 to index
        %get3A_258 = arith.constant 16 : index
        %get3A_259 = tpu.vector_load %arg10[%get3A_257, %get3A_258] {strides = array<i32>} : memref<52x64xf32, #tpu.memory_space<vmem>>, vector<16xf32>,
        %add3A_260 = arith.addf %add3A_256, %get3A_259 : vector<16xf32>
        %mul3A_261 = vector.broadcast %reduce_sum3A_247 : f32 to vector<16xf32>
        %mul3A_262 = arith.mulf %mul3A_261, %add3A_260 : vector<16xf32>
        %add3A_263 = arith.addf %scan3A_164, %mul3A_262 : vector<16xf32>
        %add3A_264 = arith.addf %get3A_65, %get3A_183 : vector<16xf32>
        %get3A_265 = arith.index_cast %add3A_234 : i32 to index
        %get3A_266 = arith.constant 32 : index
        %get3A_267 = tpu.vector_load %arg10[%get3A_265, %get3A_266] {strides = array<i32>} : memref<52x64xf32, #tpu.memory_space<vmem>>, vector<16xf32>,
        %add3A_268 = arith.addf %add3A_264, %get3A_267 : vector<16xf32>
        %mul3A_269 = vector.broadcast %reduce_sum3A_247 : f32 to vector<16xf32>
        %mul3A_270 = arith.mulf %mul3A_269, %add3A_268 : vector<16xf32>
        %add3A_271 = arith.addf %scan3A_165, %mul3A_270 : vector<16xf32>
        %add3A_272 = arith.addf %get3A_69, %get3A_186 : vector<16xf32>
        %get3A_273 = arith.index_cast %add3A_234 : i32 to index
        %get3A_274 = arith.constant 48 : index
        %get3A_275 = tpu.vector_load %arg10[%get3A_273, %get3A_274] {strides = array<i32>} : memref<52x64xf32, #tpu.memory_space<vmem>>, vector<16xf32>,
        %add3A_276 = arith.addf %add3A_272, %get3A_275 : vector<16xf32>
        %mul3A_277 = vector.broadcast %reduce_sum3A_247 : f32 to vector<16xf32>
        %mul3A_278 = arith.mulf %mul3A_277, %add3A_276 : vector<16xf32>
        %add3A_279 = arith.addf %scan3A_166, %mul3A_278 : vector<16xf32>
        %add3A_280 = arith.constant 26 : i32
        %add3A_281 = arith.addi %add3A_280, %scan3A_158 : i32
        %mul3A_282 = arith.constant 16 : i32
        %mul3A_283 = arith.muli %add3A_281, %mul3A_282 : i32
        %get3A_284 = arith.index_cast %mul3A_283 : i32 to index
        %get3A_285 = tpu.vector_load %run_scoped3A[%get3A_284] {strides = array<i32>} : memref<832xf32, #tpu.memory_space<vmem>>, vector<16xf32>,
        %mul3A_286 = arith.constant 16 : i32
        %mul3A_287 = arith.muli %add3A_281, %mul3A_286 : i32
        %get3A_288 = arith.index_cast %mul3A_287 : i32 to index
        %get3A_289 = tpu.vector_load %run_scoped3A_16[%get3A_288] {strides = array<i32>} : memref<832xf32, #tpu.memory_space<vmem>>, vector<16xf32>,
        %add3A_290 = arith.addf %get3A_285, %get3A_289 : vector<16xf32>
        %reduce_sum3A_291 = arith.constant true
        %reduce_sum3A_292 = vector.broadcast %reduce_sum3A_291 : i1 to vector<16xi1>
        %reduce_sum3A_293 = tpu.scan <sum>, %add3A_290 masked %reduce_sum3A_292 : vector<16xf32>, vector<16xi1> -> vector<16xf32>
        %reduce_sum3A_294 = vector.extract %reduce_sum3A_293[15] : f32 from vector<16xf32>
        %add3A_295 = arith.addf %get3A_73, %get3A_177 : vector<16xf32>
        %get3A_296 = arith.index_cast %add3A_281 : i32 to index
        %get3A_297 = arith.constant 0 : index
        %get3A_298 = tpu.vector_load %arg10[%get3A_296, %get3A_297] {strides = array<i32>} : memref<52x64xf32, #tpu.memory_space<vmem>>, vector<16xf32>,
        %add3A_299 = arith.addf %add3A_295, %get3A_298 : vector<16xf32>
        %mul3A_300 = vector.broadcast %reduce_sum3A_294 : f32 to vector<16xf32>
        %mul3A_301 = arith.mulf %mul3A_300, %add3A_299 : vector<16xf32>
        %add3A_302 = arith.addf %scan3A_167, %mul3A_301 : vector<16xf32>
        %add3A_303 = arith.addf %get3A_77, %get3A_180 : vector<16xf32>
        %get3A_304 = arith.index_cast %add3A_281 : i32 to index
        %get3A_305 = arith.constant 16 : index
        %get3A_306 = tpu.vector_load %arg10[%get3A_304, %get3A_305] {strides = array<i32>} : memref<52x64xf32, #tpu.memory_space<vmem>>, vector<16xf32>,
        %add3A_307 = arith.addf %add3A_303, %get3A_306 : vector<16xf32>
        %mul3A_308 = vector.broadcast %reduce_sum3A_294 : f32 to vector<16xf32>
        %mul3A_309 = arith.mulf %mul3A_308, %add3A_307 : vector<16xf32>
        %add3A_310 = arith.addf %scan3A_168, %mul3A_309 : vector<16xf32>
        %add3A_311 = arith.addf %get3A_81, %get3A_183 : vector<16xf32>
        %get3A_312 = arith.index_cast %add3A_281 : i32 to index
        %get3A_313 = arith.constant 32 : index
        %get3A_314 = tpu.vector_load %arg10[%get3A_312, %get3A_313] {strides = array<i32>} : memref<52x64xf32, #tpu.memory_space<vmem>>, vector<16xf32>,
        %add3A_315 = arith.addf %add3A_311, %get3A_314 : vector<16xf32>
        %mul3A_316 = vector.broadcast %reduce_sum3A_294 : f32 to vector<16xf32>
        %mul3A_317 = arith.mulf %mul3A_316, %add3A_315 : vector<16xf32>
        %add3A_318 = arith.addf %scan3A_169, %mul3A_317 : vector<16xf32>
        %add3A_319 = arith.addf %get3A_85, %get3A_186 : vector<16xf32>
        %get3A_320 = arith.index_cast %add3A_281 : i32 to index
        %get3A_321 = arith.constant 48 : index
        %get3A_322 = tpu.vector_load %arg10[%get3A_320, %get3A_321] {strides = array<i32>} : memref<52x64xf32, #tpu.memory_space<vmem>>, vector<16xf32>,
        %add3A_323 = arith.addf %add3A_319, %get3A_322 : vector<16xf32>
        %mul3A_324 = vector.broadcast %reduce_sum3A_294 : f32 to vector<16xf32>
        %mul3A_325 = arith.mulf %mul3A_324, %add3A_323 : vector<16xf32>
        %add3A_326 = arith.addf %scan3A_170, %mul3A_325 : vector<16xf32>
        %add3A_327 = arith.constant 39 : i32
        %add3A_328 = arith.addi %add3A_327, %scan3A_158 : i32
        %mul3A_329 = arith.constant 16 : i32
        %mul3A_330 = arith.muli %add3A_328, %mul3A_329 : i32
        %get3A_331 = arith.index_cast %mul3A_330 : i32 to index
        %get3A_332 = tpu.vector_load %run_scoped3A[%get3A_331] {strides = array<i32>} : memref<832xf32, #tpu.memory_space<vmem>>, vector<16xf32>,
        %mul3A_333 = arith.constant 16 : i32
        %mul3A_334 = arith.muli %add3A_328, %mul3A_333 : i32
        %get3A_335 = arith.index_cast %mul3A_334 : i32 to index
        %get3A_336 = tpu.vector_load %run_scoped3A_16[%get3A_335] {strides = array<i32>} : memref<832xf32, #tpu.memory_space<vmem>>, vector<16xf32>,
        %add3A_337 = arith.addf %get3A_332, %get3A_336 : vector<16xf32>
        %reduce_sum3A_338 = arith.constant true
        %reduce_sum3A_339 = vector.broadcast %reduce_sum3A_338 : i1 to vector<16xi1>
        %reduce_sum3A_340 = tpu.scan <sum>, %add3A_337 masked %reduce_sum3A_339 : vector<16xf32>, vector<16xi1> -> vector<16xf32>
        %reduce_sum3A_341 = vector.extract %reduce_sum3A_340[15] : f32 from vector<16xf32>
        %add3A_342 = arith.addf %get3A_89, %get3A_177 : vector<16xf32>
        %get3A_343 = arith.index_cast %add3A_328 : i32 to index
        %get3A_344 = arith.constant 0 : index
        %get3A_345 = tpu.vector_load %arg10[%get3A_343, %get3A_344] {strides = array<i32>} : memref<52x64xf32, #tpu.memory_space<vmem>>, vector<16xf32>,
        %add3A_346 = arith.addf %add3A_342, %get3A_345 : vector<16xf32>
        %mul3A_347 = vector.broadcast %reduce_sum3A_341 : f32 to vector<16xf32>
        %mul3A_348 = arith.mulf %mul3A_347, %add3A_346 : vector<16xf32>
        %add3A_349 = arith.addf %scan3A_171, %mul3A_348 : vector<16xf32>
        %add3A_350 = arith.addf %get3A_93, %get3A_180 : vector<16xf32>
        %get3A_351 = arith.index_cast %add3A_328 : i32 to index
        %get3A_352 = arith.constant 16 : index
        %get3A_353 = tpu.vector_load %arg10[%get3A_351, %get3A_352] {strides = array<i32>} : memref<52x64xf32, #tpu.memory_space<vmem>>, vector<16xf32>,
        %add3A_354 = arith.addf %add3A_350, %get3A_353 : vector<16xf32>
        %mul3A_355 = vector.broadcast %reduce_sum3A_341 : f32 to vector<16xf32>
        %mul3A_356 = arith.mulf %mul3A_355, %add3A_354 : vector<16xf32>
        %add3A_357 = arith.addf %scan3A_172, %mul3A_356 : vector<16xf32>
        %add3A_358 = arith.addf %get3A_97, %get3A_183 : vector<16xf32>
        %get3A_359 = arith.index_cast %add3A_328 : i32 to index
        %get3A_360 = arith.constant 32 : index
        %get3A_361 = tpu.vector_load %arg10[%get3A_359, %get3A_360] {strides = array<i32>} : memref<52x64xf32, #tpu.memory_space<vmem>>, vector<16xf32>,
        %add3A_362 = arith.addf %add3A_358, %get3A_361 : vector<16xf32>
        %mul3A_363 = vector.broadcast %reduce_sum3A_341 : f32 to vector<16xf32>
        %mul3A_364 = arith.mulf %mul3A_363, %add3A_362 : vector<16xf32>
        %add3A_365 = arith.addf %scan3A_173, %mul3A_364 : vector<16xf32>
        %add3A_366 = arith.addf %get3A_101, %get3A_186 : vector<16xf32>
        %get3A_367 = arith.index_cast %add3A_328 : i32 to index
        %get3A_368 = arith.constant 48 : index
        %get3A_369 = tpu.vector_load %arg10[%get3A_367, %get3A_368] {strides = array<i32>} : memref<52x64xf32, #tpu.memory_space<vmem>>, vector<16xf32>,
        %add3A_370 = arith.addf %add3A_366, %get3A_369 : vector<16xf32>
        %mul3A_371 = vector.broadcast %reduce_sum3A_341 : f32 to vector<16xf32>
        %mul3A_372 = arith.mulf %mul3A_371, %add3A_370 : vector<16xf32>
        %add3A_373 = arith.addf %scan3A_174, %mul3A_372 : vector<16xf32>
        scf.yield %add3A_208, %add3A_216, %add3A_224, %add3A_232, %add3A_255, %add3A_263, %add3A_271, %add3A_279, %add3A_302, %add3A_310, %add3A_318, %add3A_326, %add3A_349, %add3A_357, %add3A_365, %add3A_373 : vector<16xf32>, vector<16xf32>, vector<16xf32>, vector<16xf32>, vector<16xf32>, vector<16xf32>, vector<16xf32>, vector<16xf32>, vector<16xf32>, vector<16xf32>, vector<16xf32>, vector<16xf32>, vector<16xf32>, vector<16xf32>, vector<16xf32>, vector<16xf32>
      }
      %scan3A_138 = arith.constant 13 : i32
      %add3A_139 = arith.addf %scan3A_137#0, %scan3A_137#4 : vector<16xf32>
      %add3A_140 = arith.addf %add3A_139, %scan3A_137#8 : vector<16xf32>
      %add3A_141 = arith.addf %add3A_140, %scan3A_137#12 : vector<16xf32>
      %swap3A = arith.constant 0 : index
      %swap3A_142 = tpu.vector_load %arg11[%swap3A] {strides = array<i32>} : memref<64xf32, #tpu.memory_space<vmem>>, vector<16xf32>,
      tpu.vector_store %arg11[%swap3A], %add3A_141 {strides = array<i32>} : memref<64xf32, #tpu.memory_space<vmem>>, vector<16xf32>,
      %add3A_143 = arith.addf %scan3A_137#1, %scan3A_137#5 : vector<16xf32>
      %add3A_144 = arith.addf %add3A_143, %scan3A_137#9 : vector<16xf32>
      %add3A_145 = arith.addf %add3A_144, %scan3A_137#13 : vector<16xf32>
      %swap3A_146 = arith.constant 16 : index
      %swap3A_147 = tpu.vector_load %arg11[%swap3A_146] {strides = array<i32>} : memref<64xf32, #tpu.memory_space<vmem>>, vector<16xf32>,
      tpu.vector_store %arg11[%swap3A_146], %add3A_145 {strides = array<i32>} : memref<64xf32, #tpu.memory_space<vmem>>, vector<16xf32>,
      %add3A_148 = arith.addf %scan3A_137#2, %scan3A_137#6 : vector<16xf32>
      %add3A_149 = arith.addf %add3A_148, %scan3A_137#10 : vector<16xf32>
      %add3A_150 = arith.addf %add3A_149, %scan3A_137#14 : vector<16xf32>
      %swap3A_151 = arith.constant 32 : index
      %swap3A_152 = tpu.vector_load %arg11[%swap3A_151] {strides = array<i32>} : memref<64xf32, #tpu.memory_space<vmem>>, vector<16xf32>,
      tpu.vector_store %arg11[%swap3A_151], %add3A_150 {strides = array<i32>} : memref<64xf32, #tpu.memory_space<vmem>>, vector<16xf32>,
      %add3A_153 = arith.addf %scan3A_137#3, %scan3A_137#7 : vector<16xf32>
      %add3A_154 = arith.addf %add3A_153, %scan3A_137#11 : vector<16xf32>
      %add3A_155 = arith.addf %add3A_154, %scan3A_137#15 : vector<16xf32>
      %swap3A_156 = arith.constant 48 : index
      %swap3A_157 = tpu.vector_load %arg11[%swap3A_156] {strides = array<i32>} : memref<64xf32, #tpu.memory_space<vmem>>, vector<16xf32>,
      tpu.vector_store %arg11[%swap3A_156], %add3A_155 {strides = array<i32>} : memref<64xf32, #tpu.memory_space<vmem>>, vector<16xf32>,
      tpu.yield
    }) : () -> ()
    "tpu.region"() ({
      %run_scoped3A = tpu.sem_alloc : memref<!tpu.dma_semaphore, #tpu.memory_space<semaphore_mem>>
      %dma_start3A_16 = arith.constant 0 : i32
      %dma_start3A_17 = tpu.memref_slice %arg6[%add3A, %dma_start3A_16] : memref<32x64xf32, #tpu.memory_space<hbm>> -> memref<1x64xf32, #tpu.memory_space<hbm>>
      %dma_start3A_18 = tpu.memref_squeeze %dma_start3A_17 : memref<1x64xf32, #tpu.memory_space<hbm>> -> memref<64xf32, #tpu.memory_space<hbm>>
      %dma_start3A_19 = arith.constant 0 : i32
      %dma_start3A_20 = tpu.memref_slice %arg6[%add3A, %dma_start3A_19] : memref<32x64xf32, #tpu.memory_space<hbm>> -> memref<1x64xf32, #tpu.memory_space<hbm>>
      %dma_start3A_21 = tpu.memref_squeeze %dma_start3A_20 : memref<1x64xf32, #tpu.memory_space<hbm>> -> memref<64xf32, #tpu.memory_space<hbm>>
      tpu.enqueue_dma source(%arg11 : memref<64xf32, #tpu.memory_space<vmem>>) target(%dma_start3A_21 : memref<64xf32, #tpu.memory_space<hbm>>) target_semaphore(%run_scoped3A : memref<!tpu.dma_semaphore, #tpu.memory_space<semaphore_mem>>)
      %dma_wait3A = arith.constant 0 : i32
      %dma_wait3A_22 = tpu.memref_slice %arg6[%add3A, %dma_wait3A] : memref<32x64xf32, #tpu.memory_space<hbm>> -> memref<1x64xf32, #tpu.memory_space<hbm>>
      %dma_wait3A_23 = tpu.memref_squeeze %dma_wait3A_22 : memref<1x64xf32, #tpu.memory_space<hbm>> -> memref<64xf32, #tpu.memory_space<hbm>>
      %dma_wait3A_24 = arith.constant 0 : i32
      %dma_wait3A_25 = tpu.memref_slice %arg6[%add3A, %dma_wait3A_24] : memref<32x64xf32, #tpu.memory_space<hbm>> -> memref<1x64xf32, #tpu.memory_space<hbm>>
      %dma_wait3A_26 = tpu.memref_squeeze %dma_wait3A_25 : memref<1x64xf32, #tpu.memory_space<hbm>> -> memref<64xf32, #tpu.memory_space<hbm>>
      tpu.wait_dma2 semaphore(%run_scoped3A : memref<!tpu.dma_semaphore, #tpu.memory_space<semaphore_mem>>) src(%arg11 : memref<64xf32, #tpu.memory_space<vmem>>) dst(%dma_wait3A_26 : memref<64xf32, #tpu.memory_space<hbm>>)
      tpu.yield
    }) : () -> ()
    return
  }
}

</mosaic_0001>

<sc_bundles>
// kernel: kernel.3.cloned.1.call-start
scs
__scs_entry_jumppad:
0x0: {  	(pc) =	sbr.rel $0x88, $3  }
0x1: {  	(tag) =	ssettag $0x0;
	lr =	simm.s32 $0x1  }
0x2: {  	[smem:$0x3F9D] =	sst lr;
	_ =	strace $0xD0000000  }
0x3: {  	_ = 	snop  }
0x4: {  	_ = 	snop  }
0x5: {  	_ = 	snop  }
0x6: {  	_ = 	snop  }
0x7: {  	_ = 	snop  }
__scs_overlays_trampoline_lowered:
0x8: {  	[smem:$0x3FAC] =	sst s0  }
0x9: {  	[smem:$0x3FAD] =	sst s1  }
0xa: {  	[smem:$0x3FAE] =	sst s2  }
0xb: {  	[smem:$0x3FAF] =	sst s3  }
0xc: {  	[smem:$0x3FB0] =	sst s4  }
0xd: {  	[smem:$0x3FB1] =	sst s5  }
0xe: {  	[smem:$0x3FB2] =	sst s6  }
0xf: {  	[smem:$0x3FB3] =	sst s7  }
0x10: {  	[smem:$0x3FB4] =	sst s8  }
0x11: {  	[smem:$0x3FB5] =	sst s9;
	s0 =	simm.s32 @!p0 $0x0  }
0x12: {  	s1 =	sld [smem:$0x3F9B];
	s0 =	simm.s32 @p0 $0x1  }
0x13: {  	[smem:$0x3FB6] =	sst s0;
	s0 =	simm.s32 @!p1 $0x0  }
0x14: {  	s2 =	sld [smem:$0x3F9A];
	s0 =	simm.s32 @p1 $0x1  }
0x15: {  	[smem:$0x3FB7] =	sst s0;
	s0 =	simm.s32 @!p2 $0x0  }
0x16: {  	s3 =	sld [smem:$0x3FDB];
	s0 =	simm.s32 @p2 $0x1  }
0x17: {  	s4 =	simm.s32 $0x1BF5;
	[smem:$0x3FB9] =	sst s0  }
0x18: {  	s0 =	sld [smem:$0x3F9C];
	_ =	swait.ge [sflag:s4], $0x0  }
0x19: {  	s7 =	sld [smem:$0x3F9D]  }
0x1a: {  	s8 =	sadd.s32 $0xFFFFE003, lr  }
0x1b: {  	s9 =	sadd.s32 $0xFFFFFEF7, lr;
	s5 =	simm.s32 $0xFFFFFFFF;
	p2 =	slt.u32 s8, $0xFFFFF086  }
0x1c: {  	p1 =	slt.u32 s9, $0xF7A;
	s5 =	simm.s32 @!p2 $0x0  }
0x1d: {  	s5 =	simm.s32 @p1 $0x1;
	p0 =	seq.s32 s7, s2  }
0x1e: {  	s7 =	smul.u32 @!p0 $0xF7A, s2;
	p2 =	seq.s32 @!p0 s5, $0x0  }
0x1f: {  	s9 =	smul.u32 $0xF7A, s1;
	s8 =	simm.s32 @!p0 $0x1BF5;
	p2 =	por !p2, p0  }
0x20: {  	[sflag:s8] =	ssyncset.s32 @!p0 $0xFFFFF086;
	s6 =	sadd.s32 @!p0 s3, s7;
	s7 =	simm.s32 @!p0 $0x108  }
0x21: {  	s3 =	sadd.s32 s3, s9;
	s6 =	sadd.s32 @!p0 $0x88, s6;
	s7 =	simm.s32 @p2 $0x1082  }
0x22: {  	[simem:s7], [sflag:s8] =	dma.local @!p0 [hbm:s6], $0xF7A  }
0x23: {  	s9 =	sor.u32 $0xD0000000, s2;
	s6 =	simm.s32 $0x108;
	_ =	swait.ge @!p0 [sflag:s8], $0x0  }
0x24: {  	s3 =	sadd.s32 $0x88, s3;
	s6 =	simm.s32 @!p1 $0x1082;
	[sflag:s4] =	ssyncset.s32 $0xFFFFF086  }
0x25: {  	[simem:s6], [sflag:s4] =	dma.local [hbm:s3], $0xF7A  }
0x26: {  	[smem:$0x3F9D] =	sst s1;
	(tag) =	ssettag s2;
	_ =	strace s9  }
0x27: {  	s1 =	sld [smem:$0x3FAD]  }
0x28: {  	s2 =	sld [smem:$0x3FAE]  }
0x29: {  	s4 =	sld [smem:$0x3FB0]  }
0x2a: {  	p0 =	seq.s32 s5, $0x0;
	s5 =	sld [smem:$0x3FB1]  }
0x2b: {  	s6 =	sld [smem:$0x3FB2]  }
0x2c: {  	s7 =	sld [smem:$0x3FB3]  }
0x2d: {  	s3 =	simm.s32 $0x108;
	s8 =	sld [smem:$0x3FB4]  }
0x2e: {  	s3 =	simm.s32 @!p0 $0x1082;
	s9 =	sld [smem:$0x3FB5]  }
0x2f: {  	lr =	sadd.s32 s0, s3;
	s0 =	sld [smem:$0x3FAC]  }
0x30: {  	s3 =	sld [smem:$0x3FAF]  }
0x31: {  	[smem:$0x3FB8] =	sst s10  }
0x32: {  	s10 =	sld [smem:$0x3FB6];
	_ =	sdelay $0x3  }
0x33: {  	p0 =	seq.s32 s10, $0x1;
	s10 =	sld [smem:$0x3FB8];
	_ =	sdelay $0x3  }
0x34: {  	[smem:$0x3FB8] =	sst s10  }
0x35: {  	s10 =	sld [smem:$0x3FB7];
	_ =	sdelay $0x3  }
0x36: {  	p1 =	seq.s32 s10, $0x1;
	s10 =	sld [smem:$0x3FB8];
	_ =	sdelay $0x3  }
0x37: {  	[smem:$0x3FB8] =	sst s10  }
0x38: {  	s10 =	sld [smem:$0x3FB9]  }
0x39: {  	_ = 	snop;
	(pc) =	sbr.ind lr, $3  }
0x3a: {  	_ = 	snop  }
0x3b: {  	_ = 	snop  }
0x3c: {  	p2 =	seq.s32 s10, $0x1;
	s10 =	sld [smem:$0x3FB8]  }
0x3d: {  	_ =	shalt  }
0x3e: {  	_ =	shalt  }
0x3f: {  	_ =	shalt  }
0x40: {  	_ =	shalt  }
0x41: {  	_ =	shalt  }
0x42: {  	_ =	shalt  }
0x43: {  	_ =	shalt  }
0x44: {  	_ =	shalt  }
0x45: {  	_ =	shalt  }
0x46: {  	_ =	shalt  }
0x47: {  	_ =	shalt  }
0x48: {  	_ =	shalt  }
0x49: {  	_ =	shalt  }
0x4a: {  	_ =	shalt  }
0x4b: {  	_ =	shalt  }
0x4c: {  	_ =	shalt  }
0x4d: {  	_ =	shalt  }
0x4e: {  	_ =	shalt  }
0x4f: {  	_ =	shalt  }
0x50: {  	_ =	shalt  }
0x51: {  	_ =	shalt  }
0x52: {  	_ =	shalt  }
0x53: {  	_ =	shalt  }
0x54: {  	_ =	shalt  }
0x55: {  	_ =	shalt  }
0x56: {  	_ =	shalt  }
0x57: {  	_ =	shalt  }
0x58: {  	_ =	shalt  }
0x59: {  	_ =	shalt  }
0x5a: {  	_ =	shalt  }
0x5b: {  	_ =	shalt  }
0x5c: {  	_ =	shalt  }
0x5d: {  	_ =	shalt  }
0x5e: {  	_ =	shalt  }
0x5f: {  	_ =	shalt  }
0x60: {  	_ =	shalt  }
0x61: {  	_ =	shalt  }
0x62: {  	_ =	shalt  }
0x63: {  	_ =	shalt  }
0x64: {  	_ =	shalt  }
0x65: {  	_ =	shalt  }
0x66: {  	_ =	shalt  }
0x67: {  	_ =	shalt  }
0x68: {  	_ =	shalt  }
0x69: {  	_ =	shalt  }
0x6a: {  	_ =	shalt  }
0x6b: {  	_ =	shalt  }
0x6c: {  	_ =	shalt  }
0x6d: {  	_ =	shalt  }
0x6e: {  	_ =	shalt  }
0x6f: {  	_ =	shalt  }
0x70: {  	_ =	shalt  }
0x71: {  	_ =	shalt  }
0x72: {  	_ =	shalt  }
0x73: {  	_ =	shalt  }
0x74: {  	_ =	shalt  }
0x75: {  	_ =	shalt  }
0x76: {  	_ =	shalt  }
0x77: {  	_ =	shalt  }
0x78: {  	_ =	shalt  }
0x79: {  	_ =	shalt  }
0x7a: {  	_ =	shalt  }
0x7b: {  	_ =	shalt  }
0x7c: {  	_ =	shalt  }
0x7d: {  	_ =	shalt  }
0x7e: {  	_ =	shalt  }
0x7f: {  	_ =	shalt  }
0x80: {  	_ =	shalt  }
0x81: {  	_ =	shalt  }
0x82: {  	_ =	shalt  }
0x83: {  	_ =	shalt  }
0x84: {  	_ =	shalt  }
0x85: {  	_ =	shalt  }
0x86: {  	_ =	shalt  }
0x87: {  	_ =	shalt  }
.Lfunc_end0:
.L_simem_size_0:
called_computation_lowered:
.L_overlay_start_0:
0x88: {  	s2 =	sld [smem:$0x3FD9]  }
0x89: {  	s3 =	sld [smem:$0x3FFE];
	_ =	sdelay $0x1  }
0x8a: {  	s1 =	srdreg.scid  }
0x8b: {  	s0 =	sand.u32 $0x1, s1  }
0x8c: {  	s17 =	sshll.u32 s0, $0xA;
	s2 =	sadd.s32 s3, s2  }
0x8d: {  	s2 =	sadd.s32 s2, s17  }
0x8e: {  	[smem:$0x3FC4] =	sst s2  }
0x8f: {  	_ = 	snop  }
0x90: {  	s2 =	sld [smem:$0x3FC9]  }
0x91: {  	s18 =	sld [smem:$0x3FC8]  }
0x92: {  	s4 =	sld [smem:$0x3FC7]  }
0x93: {  	s5 =	sld [smem:$0x3FC6];
	(tm) =	ssettm $0x1  }
0x94: {  	s6 =	sld [smem:$0x3FFB];
	_ =	sdelay $0x3  }
0x95: {  	_ =	strace s6  }
0x96: {  	s6 =	sld [smem:$0x3FFC];
	_ =	sdelay $0x3  }
0x97: {  	_ =	strace s6  }
0x98: {  	s6 =	sld [smem:$0x3FFD];
	_ =	sdelay $0x3  }
0x99: {  	_ =	strace s6  }
0x9a: {  	_ =	strace $0x8FFFFFFF  }
0x9b: {  	s19 =	sld [smem:$0x3FDB];
	_ =	sdelay $0x1  }
0x9c: {  	s7 =	simm.s32 $_scs_section_size  }
0x9d: {  	s8 =	simm.s32 $_size__tile_overlayer_lowered;
	s9 =	simm.s32 $_tile_overlayer_lowered  }
0x9e: {  	s22 =	simm.s32 $0x1BFF;
	s21 =	sshll.u32 s9, $0x1;
	s6 =	sadd.s32 s7, s19  }
0x9f: {  	s10 =	simm.s32 $0x0;
	s20 =	sshll.u32 s8, $0x1;
	s8 =	sadd.s32 s21, s6  }
0xa0: {  	[timem:s10], [sflag:s22] =	dma.local [hbm:s8], s20  }
0xa1: {  	_ =	swait.ge [sflag:s22], s20  }
0xa2: {  	s7 =	ssub.s32 $0x0, s20;
	[sflag:s22] =	ssyncset.done $0x0  }
0xa3: {  	[sflag:s22] =	ssyncadd.s32 s7;
	_ =	sdelay $0x1  }
0xa4: {  	s23 =	simm.s32 $0x1B8B  }
0xa5: {  	_ =	swait.ge [sflag:s23], $0x1  }
0xa6: {  	[sflag:s23] =	ssyncset.done $0x0  }
0xa7: {  	s25 =	simm.s32 $0x1B8E;
	s24 =	sld [smem:$0x3FFE];
	[sflag:s23] =	ssyncadd.s32 $0xFFFFFFFF  }
0xa8: {  	s26 =	simm.s32 $execute0_lowered;
	[smem:$0x3FD2] =	sst s25  }
0xa9: {  	s8 =	sshll.u32 s26, $0x1;
	_ =	strace $0x80000046;
	[dreg:$0x1] =	wrdreg $0xFFFFFFFF  }
0xaa: {  	s28 =	simm.s32 $_size_execute0_lowered;
	s6 =	sadd.s32 s6, s8;
	[dreg:$0x0] =	wrdreg $0x0  }
0xab: {  	s8 =	sshll.u32 s28, $0x1;
	[dreg:$0x2] =	wrdreg s6  }
0xac: {  	[dreg:$0x3] =	wrdreg s8  }
0xad: {  	[dreg:$0x4] =	wrdreg $0xC0  }
0xae: {  	_ =	task [dreg:s10], $0x5FFFF  }
0xaf: {  	[dreg:$0x1] =	wrdreg $0xFFFFFFFF  }
0xb0: {  	[dreg:$0x0] =	wrdreg $0x60  }
0xb1: {  	[dreg:$0x2] =	wrdreg s2  }
0xb2: {  	[dreg:$0x3] =	wrdreg s18  }
0xb3: {  	[dreg:$0x4] =	wrdreg s4  }
0xb4: {  	[dreg:$0x5] =	wrdreg s5  }
0xb5: {  	[dreg:$0x6] =	wrdreg s24  }
0xb6: {  	[dreg:$0x7] =	wrdreg $0x9  }
0xb7: {  	_ =	task.clear_ibuf [dreg:s10], $0x8FFFF;
	_ =	strace $0x90000046  }
0xb8: {  	s29 =	simm.s32 $0x9;
	_ =	strace $0x80000048  }
0xb9: {  	_ =	swait.ge [sflag:s29], $0x1  }
0xba: {  	[sflag:s29] =	ssyncadd.s32 $0xFFFFFFFF  }
0xbb: {  	_ =	strace $0x90000048  }
0xbc: {  	_ =	sfence  }
0xbd: {  	s30 =	sld [smem:$0x0];
	_ =	sdelay $0x2  }
0xbe: {  	s31 =	sshll.u32 s1, $0xD;
	s1 =	sshrl.u32 s1, $0x2  }
0xbf: {  	s3 =	sand.u32 $0x4000, s31;
	s1 =	sadd.s32 s1, s30  }
0xc0: {  	s0 =	sor.u32 s3, s0;
	s1 =	sshll.u32 s1, $0x11  }
0xc1: {  	s0 =	sor.u32 s1, s0  }
0xc2: {  	s0 =	sadd.s32 $0x8F2B, s0  }
0xc3: {  	[sflag:s0] =	ssyncadd.remote.s32 $0x1  }
0xc4: {  	_ =	sfence.sel $0xFFFF  }
0xc5: {  	[dreg:$0x0] =	wrdreg $0xFFFFFFFF;
	(pc) =	sbr.abs _section_cstart, $3  }
0xc6: {  	[dreg:$0x1] =	wrdreg $0xFFFFFFFF  }
0xc7: {  	_ =	task.clear_ibuf [dreg:s10], $0x2FFFF;
	_ =	strace $0x9FFFFFFF  }
0xc8: {  	(tm) =	ssettm $0x7FFFFFFF  }
0xc9: {  	_ =	shalt  }
tec
execute0_lowered:
.L_overlay_start_1:
0x0: {  	(tag) =	ssettag $0x1  }
0x1: {  	s6 =	rddreg [dreg:$0x0]  }
0x2: {  	s1 =	rddreg [dreg:$0x1]  }
0x3: {  	s2 =	rddreg [dreg:$0x2];
	s3 =	srdreg.scid  }
0x4: {  	s0 =	stileid.u32;
	s4 =	rddreg [dreg:$0x3]  }
0x5: {  	s8 =	rddreg [dreg:$0x4];
	s5 =	simm.s32 $0x0;
	s12 =	simm.s32 $0x6600  }
0x6: {  	s13 =	simm.s32 $0x6E00;
	s14 =	simm.s32 $0x1;
	s15 =	simm.s32 $0x8A80  }
0x7: {  	s16 =	simm.s32 $0x8E00;
	s17 =	simm.s32 $0x2;
	s18 =	simm.s32 $0x3  }
0x8: {  	s19 =	simm.s32 $0x8A00;
	s7 =	sand.u32 $0x1, s3;
	s31 =	sshll.u32 s0, $0x1  }
0x9: {  	s20 =	simm.s32 $0x4;
	s21 =	simm.s32 $0x0;
	s9 =	sor.u32 s7, s31  }
0xa: {  	[smem:$0x7FF] =	sst s5;
	s7 =	ssub.s32 $0x2, s7;
	s10 =	smul.u32 $0x6400, s9  }
0xb: {  	s3 =	rddreg [dreg:$0x5];
	_ =	strace $0x80000047;
	s11 =	sshrl.u32 s7, $0x1  }
0xc: {  	s9 =	sshll.u32 s9, $0x4;
	s11 =	ssub.s32 s7, s11;
	s10 =	sshrl.u32 s10, $0x3  }
0xd: {  	s8 =	sadd.s32 s8, s9;
	s9 =	smax.u32 s11, $0x1;
	s6 =	sadd.s32 s6, s10  }
0xe: {  	v0 =	vimm.f32 $0.0e+00;
	v1 =	vlaneseq.u32;
	v2 =	vimm.f32 $1.000000000e+00;
	s11 =	simm.s32 $0x6400;
	s10 =	simm.s32 $0x3200;
	s7 =	sadd.s32 $0x640, s6  }
.LBB2_1:
0xf: {  	[tilespmem:s5], [sflag:$0x1] =	stream.linear.gather [hbm4b:s6+s5], $0x3200, $0x38;
	[tilespmem:$0x9180] =	vst v63  }
0x10: {  	_ = 	snop  }
0x11: {  	[tilespmem:s10], [sflag:$0x2] =	stream.linear.gather [hbm4b:s7+s5], $0x3200, $0x38;
	[tilespmem:$0x9180] =	vst v63  }
0x12: {  	_ = 	snop  }
0x13: {  	[tilespmem:s11], [sflag:$0x3] =	stream.linear.gather [hbm4b:s1+s5], $0x200, $0x38;
	[tilespmem:$0x9180] =	vst v63  }
0x14: {  	_ = 	snop  }
0x15: {  	[tilespmem:s12], [sflag:$0x3] =	stream.linear.gather [hbm4b:s2+s5], $0x680, $0x38;
	[tilespmem:$0x9180] =	vst v63  }
0x16: {  	s22 =	simm.s32 $0x40;
	s23 =	simm.s32 $0x0  }
0x17: {  	[tilespmem:s13], [sflag:$0x3] =	stream.linear.gather [hbm4b:s4+s5], $0x1A00, $0x38;
	[tilespmem:$0x9180] =	vst v63  }
.LBB2_2:
0x18: {  	p0 =	sne.s32 s22, $0xCC0;
	[tilespmem:s23+$0x8A80] =	vst v0;
	s24 =	smov.u32 s22;
	s22 =	sadd.s32 $0x40, s22  }
.Ltmp0:
0x19: {  	[tilespmem:s23+$0x8E00] =	vst v0;
	(pc) =	sbr.rel @p0 .LBB2_2-.Ltmp0, $2  }
0x1a: {  	_ =	sdelay $0x2  }
0x1b: {  	s23 =	sshra.s32 s24, $0x2  }
0x1c: {  	[tilespmem:s23+$0x8A80] =	vst v0  }
0x1d: {  	[tilespmem:s23+$0x8E00] =	vst v0  }
0x1e: {  	_ =	swait.ge [sflag:s14], $0x3200  }
0x1f: {  	[sflag:s14] =	ssyncset.done $0x0  }
0x20: {  	s24 =	simm.s32 $0x40;
	[sflag:s14] =	ssyncadd.s32 $0xFFFFCE00  }
0x21: {  	v3 =	vld [tilespmem:s24+$0x0];
	_ =	sdelay $0x2  }
0x22: {  	v4 =	vld [tilespmem:s24+$0xFFFFFFC0];
	_ =	sdelay $0x1  }
0x23: {  	v3 =	vshll.u32 v3, $0x4  }
0x24: {  	v3 =	vor.u32 v1, v3;
	_ =	sdelay $0x1  }
0x25: {  	v4 =	vshll.u32 v4, $0x4  }
0x26: {  	s22 =	simm.s32 $0xC0;
	v4 =	vor.u32 v1, v4  }
0x27: {  	v5 =	vld [tilespmem:s22+$0x0]  }
0x28: {  	[tilespmem:v3+s15+$0x0] =	vst.idx.add.f32.msk $0xffff, v2  }
0x29: {  	v3 =	vld [tilespmem:s24+$0x10];
	_ =	sdelay $0x1  }
0x2a: {  	[tilespmem:v4+s15+$0x0] =	vst.idx.add.f32.msk $0xffff, v2  }
0x2b: {  	v4 =	vld [tilespmem:s24+$0xFFFFFFD0]  }
0x2c: {  	v5 =	vshll.u32 v5, $0x4  }
0x2d: {  	v5 =	vor.u32 v1, v5;
	v3 =	vshll.u32 v3, $0x4  }
0x2e: {  	v6 =	vld [tilespmem:s22+$0xFFFFFFC0];
	v3 =	vor.u32 v1, v3;
	_ =	sdelay $0x1  }
0x2f: {  	v4 =	vshll.u32 v4, $0x4  }
0x30: {  	v4 =	vor.u32 v1, v4  }
0x31: {  	[tilespmem:v5+s15+$0x0] =	vst.idx.add.f32.msk $0xffff, v2  }
0x32: {  	v6 =	vshll.u32 v6, $0x4;
	[tilespmem:v3+s16+$0x0] =	vst.idx.add.f32.msk $0xffff, v2  }
0x33: {  	v3 =	vor.u32 v1, v6;
	v6 =	vld [tilespmem:s24+$0x20]  }
0x34: {  	v5 =	vld [tilespmem:s22+$0x10]  }
0x35: {  	[tilespmem:v4+s16+$0x0] =	vst.idx.add.f32.msk $0xffff, v2  }
0x36: {  	v4 =	vld [tilespmem:s24+$0xFFFFFFE0];
	_ =	sdelay $0x1  }
0x37: {  	[tilespmem:v3+s15+$0x0] =	vst.idx.add.f32.msk $0xffff, v2;
	v3 =	vshll.u32 v6, $0x4  }
0x38: {  	v6 =	vld [tilespmem:s22+$0xFFFFFFD0];
	v3 =	vor.u32 v1, v3  }
0x39: {  	s23 =	simm.s32 $0x140;
	v5 =	vshll.u32 v5, $0x4  }
0x3a: {  	v7 =	vld [tilespmem:s23+$0x0];
	v5 =	vor.u32 v1, v5;
	v4 =	vshll.u32 v4, $0x4  }
0x3b: {  	v4 =	vor.u32 v1, v4  }
0x3c: {  	v8 =	vld [tilespmem:s23+$0xFFFFFFC0]  }
0x3d: {  	v6 =	vshll.u32 v6, $0x4;
	[tilespmem:v3+s15+$0x0] =	vst.idx.add.f32.msk $0xffff, v2  }
0x3e: {  	v3 =	vor.u32 v1, v6;
	v6 =	vld [tilespmem:s24+$0x30]  }
0x3f: {  	v7 =	vshll.u32 v7, $0x4;
	[tilespmem:v5+s16+$0x0] =	vst.idx.add.f32.msk $0xffff, v2  }
0x40: {  	[tilespmem:v4+s15+$0x0] =	vst.idx.add.f32.msk $0xffff, v2;
	v4 =	vor.u32 v1, v7  }
0x41: {  	v8 =	vshll.u32 v8, $0x4;
	v7 =	vld [tilespmem:s24+$0xFFFFFFF0]  }
0x42: {  	v8 =	vor.u32 v1, v8;
	v9 =	vld [tilespmem:s22+$0x20]  }
0x43: {  	[tilespmem:v3+s16+$0x0] =	vst.idx.add.f32.msk $0xffff, v2;
	v3 =	vshll.u32 v6, $0x4  }
0x44: {  	v10 =	vld [tilespmem:s22+$0xFFFFFFE0];
	v11 =	vor.u32 v1, v3  }
0x45: {  	[tilespmem:v4+s15+$0x0] =	vst.idx.add.f32.msk $0xffff, v2  }
0x46: {  	v5 =	vld [tilespmem:s23+$0x10];
	v3 =	vshll.u32 v7, $0x4  }
0x47: {  	[tilespmem:v8+s15+$0x0] =	vst.idx.add.f32.msk $0xffff, v2;
	v4 =	vshll.u32 v9, $0x4;
	v3 =	vor.u32 v1, v3  }
0x48: {  	v6 =	vld [tilespmem:s23+$0xFFFFFFD0];
	v4 =	vor.u32 v1, v4  }
0x49: {  	s25 =	simm.s32 $0x1C0;
	s24 =	simm.s32 $0x4;
	v7 =	vshll.u32 v10, $0x4;
	[tilespmem:v11+s16+$0x0] =	vst.idx.add.f32.msk $0xffff, v2  }
.LBB2_4:
0x4a: {  	v8 =	vld [tilespmem:s25+$0x0];
	s24 =	sadd.s32 $0x2, s24;
	v7 =	vor.u32 v1, v7  }
0x4b: {  	v9 =	vld [tilespmem:s25+$0xFFFFFFC0];
	p0 =	slt.u32 s24, $0xC6;
	v5 =	vshll.u32 v5, $0x4  }
0x4c: {  	v5 =	vor.u32 v1, v5;
	[tilespmem:v3+s16+$0x0] =	vst.idx.add.f32.msk $0xffff, v2  }
0x4d: {  	v3 =	vshll.u32 v6, $0x4;
	[tilespmem:v4+s15+$0x0] =	vst.idx.add.f32.msk $0xffff, v2  }
0x4e: {  	v3 =	vor.u32 v1, v3;
	v4 =	vld [tilespmem:s22+$0x30]  }
0x4f: {  	v6 =	vshll.u32 v8, $0x4;
	[tilespmem:v7+s15+$0x0] =	vst.idx.add.f32.msk $0xffff, v2  }
0x50: {  	v7 =	vshll.u32 v9, $0x4;
	v6 =	vor.u32 v1, v6;
	v8 =	vld [tilespmem:s22+$0xFFFFFFF0];
	s22 =	smov.u32 s23;
	s23 =	smov.u32 s25  }
0x51: {  	v7 =	vor.u32 v1, v7;
	[tilespmem:v5+s16+$0x0] =	vst.idx.add.f32.msk $0xffff, v2  }
0x52: {  	v9 =	vld [tilespmem:s22+$0x20]  }
0x53: {  	[tilespmem:v3+s16+$0x0] =	vst.idx.add.f32.msk $0xffff, v2;
	v3 =	vshll.u32 v4, $0x4  }
0x54: {  	v10 =	vld [tilespmem:s22+$0xFFFFFFE0];
	v11 =	vor.u32 v1, v3  }
.Ltmp1:
0x55: {  	[tilespmem:v6+s15+$0x0] =	vst.idx.add.f32.msk $0xffff, v2;
	v3 =	vshll.u32 v8, $0x4;
	(pc) =	sbr.rel @p0 .LBB2_4-.Ltmp1, $4  }
0x56: {  	v5 =	vld [tilespmem:s25+$0x10];
	v3 =	vor.u32 v1, v3  }
0x57: {  	[tilespmem:v7+s15+$0x0] =	vst.idx.add.f32.msk $0xffff, v2;
	v4 =	vshll.u32 v9, $0x4  }
0x58: {  	v6 =	vld [tilespmem:s25+$0xFFFFFFD0];
	v4 =	vor.u32 v1, v4  }
0x59: {  	s25 =	sadd.s32 $0x80, s25;
	v7 =	vshll.u32 v10, $0x4;
	[tilespmem:v11+s16+$0x0] =	vst.idx.add.f32.msk $0xffff, v2  }
0x5a: {  	_ = 	snop  }
0x5b: {  	v5 =	vshll.u32 v5, $0x4  }
0x5c: {  	v5 =	vor.u32 v1, v5  }
0x5d: {  	v6 =	vshll.u32 v6, $0x4  }
0x5e: {  	v6 =	vor.u32 v1, v6;
	_ =	sdelay $0x2  }
0x5f: {  	[tilespmem:v5+s16+$0x0] =	vst.idx.add.f32.msk $0xffff, v2  }
0x60: {  	v5 =	vld [tilespmem:s23+$0x20]  }
0x61: {  	[tilespmem:v6+s16+$0x0] =	vst.idx.add.f32.msk $0xffff, v2  }
0x62: {  	v6 =	vld [tilespmem:s23+$0xFFFFFFE0]  }
0x63: {  	v7 =	vor.u32 v1, v7;
	_ =	sdelay $0x1  }
0x64: {  	v5 =	vshll.u32 v5, $0x4  }
0x65: {  	v5 =	vor.u32 v1, v5  }
0x66: {  	[tilespmem:v4+s15+$0x0] =	vst.idx.add.f32.msk $0xffff, v2;
	v4 =	vshll.u32 v6, $0x4  }
0x67: {  	[tilespmem:v7+s15+$0x0] =	vst.idx.add.f32.msk $0xffff, v2;
	v4 =	vor.u32 v1, v4  }
0x68: {  	v7 =	vld [tilespmem:s22+$0xFFFFFFF0]  }
0x69: {  	v6 =	vld [tilespmem:s22+$0x30]  }
0x6a: {  	[tilespmem:v5+s15+$0x0] =	vst.idx.add.f32.msk $0xffff, v2  }
0x6b: {  	v5 =	vld [tilespmem:s23+$0x30]  }
0x6c: {  	[tilespmem:v4+s15+$0x0] =	vst.idx.add.f32.msk $0xffff, v2  }
0x6d: {  	v4 =	vld [tilespmem:s23+$0xFFFFFFF0];
	_ =	sdelay $0x1  }
0x6e: {  	v7 =	vshll.u32 v7, $0x4  }
0x6f: {  	v7 =	vor.u32 v1, v7;
	v6 =	vshll.u32 v6, $0x4  }
0x70: {  	v6 =	vor.u32 v1, v6;
	v5 =	vshll.u32 v5, $0x4  }
0x71: {  	v5 =	vor.u32 v1, v5;
	v4 =	vshll.u32 v4, $0x4  }
0x72: {  	v4 =	vor.u32 v1, v4  }
0x73: {  	[tilespmem:v3+s16+$0x0] =	vst.idx.add.f32.msk $0xffff, v2  }
0x74: {  	[tilespmem:v7+s16+$0x0] =	vst.idx.add.f32.msk $0xffff, v2  }
0x75: {  	[tilespmem:v6+s16+$0x0] =	vst.idx.add.f32.msk $0xffff, v2  }
0x76: {  	[tilespmem:v5+s16+$0x0] =	vst.idx.add.f32.msk $0xffff, v2  }
0x77: {  	[tilespmem:v4+s16+$0x0] =	vst.idx.add.f32.msk $0xffff, v2  }
0x78: {  	_ =	swait.ge [sflag:s17], $0x3200  }
0x79: {  	[sflag:s17] =	ssyncset.done $0x0  }
0x7a: {  	s24 =	simm.s32 $0x3270;
	[sflag:s17] =	ssyncadd.s32 $0xFFFFCE00  }
0x7b: {  	v3 =	vld [tilespmem:s24+$0xFFFFFFD0];
	_ =	sdelay $0x2  }
0x7c: {  	v4 =	vld [tilespmem:s24+$0xFFFFFF90];
	_ =	sdelay $0x1  }
0x7d: {  	v3 =	vshll.u32 v3, $0x4  }
0x7e: {  	v3 =	vor.u32 v1, v3;
	_ =	sdelay $0x1  }
0x7f: {  	v4 =	vshll.u32 v4, $0x4  }
0x80: {  	s22 =	simm.s32 $0x32F0;
	v4 =	vor.u32 v1, v4  }
0x81: {  	v5 =	vld [tilespmem:s22+$0xFFFFFFD0]  }
0x82: {  	[tilespmem:v3+s15+$0x0] =	vst.idx.add.f32.msk $0xffff, v2  }
0x83: {  	v3 =	vld [tilespmem:s24+$0xFFFFFFE0];
	_ =	sdelay $0x1  }
0x84: {  	[tilespmem:v4+s15+$0x0] =	vst.idx.add.f32.msk $0xffff, v2  }
0x85: {  	v4 =	vld [tilespmem:s24+$0xFFFFFFA0]  }
0x86: {  	v5 =	vshll.u32 v5, $0x4  }
0x87: {  	v5 =	vor.u32 v1, v5;
	v3 =	vshll.u32 v3, $0x4  }
0x88: {  	v6 =	vld [tilespmem:s22+$0xFFFFFF90];
	v3 =	vor.u32 v1, v3;
	_ =	sdelay $0x1  }
0x89: {  	v4 =	vshll.u32 v4, $0x4  }
0x8a: {  	v4 =	vor.u32 v1, v4  }
0x8b: {  	[tilespmem:v5+s15+$0x0] =	vst.idx.add.f32.msk $0xffff, v2  }
0x8c: {  	v6 =	vshll.u32 v6, $0x4;
	[tilespmem:v3+s16+$0x0] =	vst.idx.add.f32.msk $0xffff, v2  }
0x8d: {  	v3 =	vor.u32 v1, v6;
	v6 =	vld [tilespmem:s24+$0xFFFFFFF0]  }
0x8e: {  	v5 =	vld [tilespmem:s22+$0xFFFFFFE0]  }
0x8f: {  	[tilespmem:v4+s16+$0x0] =	vst.idx.add.f32.msk $0xffff, v2  }
0x90: {  	v4 =	vld [tilespmem:s24+$0xFFFFFFB0];
	_ =	sdelay $0x1  }
0x91: {  	[tilespmem:v3+s15+$0x0] =	vst.idx.add.f32.msk $0xffff, v2;
	v3 =	vshll.u32 v6, $0x4  }
0x92: {  	v6 =	vld [tilespmem:s22+$0xFFFFFFA0];
	v3 =	vor.u32 v1, v3  }
0x93: {  	s23 =	simm.s32 $0x3370;
	v5 =	vshll.u32 v5, $0x4  }
0x94: {  	v7 =	vld [tilespmem:s23+$0xFFFFFFD0];
	v5 =	vor.u32 v1, v5;
	v4 =	vshll.u32 v4, $0x4  }
0x95: {  	v4 =	vor.u32 v1, v4  }
0x96: {  	v8 =	vld [tilespmem:s23+$0xFFFFFF90]  }
0x97: {  	v6 =	vshll.u32 v6, $0x4;
	[tilespmem:v3+s15+$0x0] =	vst.idx.add.f32.msk $0xffff, v2  }
0x98: {  	v3 =	vor.u32 v1, v6;
	v6 =	vld [tilespmem:s24+$0x0]  }
0x99: {  	v7 =	vshll.u32 v7, $0x4;
	[tilespmem:v5+s16+$0x0] =	vst.idx.add.f32.msk $0xffff, v2  }
0x9a: {  	[tilespmem:v4+s15+$0x0] =	vst.idx.add.f32.msk $0xffff, v2;
	v4 =	vor.u32 v1, v7  }
0x9b: {  	v8 =	vshll.u32 v8, $0x4;
	v7 =	vld [tilespmem:s24+$0xFFFFFFC0]  }
0x9c: {  	v8 =	vor.u32 v1, v8;
	v9 =	vld [tilespmem:s22+$0xFFFFFFF0]  }
0x9d: {  	[tilespmem:v3+s16+$0x0] =	vst.idx.add.f32.msk $0xffff, v2;
	v3 =	vshll.u32 v6, $0x4  }
0x9e: {  	v10 =	vld [tilespmem:s22+$0xFFFFFFB0];
	v11 =	vor.u32 v1, v3  }
0x9f: {  	[tilespmem:v4+s15+$0x0] =	vst.idx.add.f32.msk $0xffff, v2  }
0xa0: {  	v5 =	vld [tilespmem:s23+$0xFFFFFFE0];
	v3 =	vshll.u32 v7, $0x4  }
0xa1: {  	[tilespmem:v8+s15+$0x0] =	vst.idx.add.f32.msk $0xffff, v2;
	v4 =	vshll.u32 v9, $0x4;
	v3 =	vor.u32 v1, v3  }
0xa2: {  	v6 =	vld [tilespmem:s23+$0xFFFFFFA0];
	v4 =	vor.u32 v1, v4  }
0xa3: {  	s25 =	simm.s32 $0x33F0;
	s24 =	simm.s32 $0x4;
	v7 =	vshll.u32 v10, $0x4;
	[tilespmem:v11+s16+$0x0] =	vst.idx.add.f32.msk $0xffff, v2  }
.LBB2_6:
0xa4: {  	v8 =	vld [tilespmem:s25+$0xFFFFFFD0];
	s24 =	sadd.s32 $0x2, s24;
	v7 =	vor.u32 v1, v7  }
0xa5: {  	v9 =	vld [tilespmem:s25+$0xFFFFFF90];
	p0 =	slt.u32 s24, $0xC6;
	v5 =	vshll.u32 v5, $0x4  }
0xa6: {  	v5 =	vor.u32 v1, v5;
	[tilespmem:v3+s16+$0x0] =	vst.idx.add.f32.msk $0xffff, v2  }
0xa7: {  	v3 =	vshll.u32 v6, $0x4;
	[tilespmem:v4+s15+$0x0] =	vst.idx.add.f32.msk $0xffff, v2  }
0xa8: {  	v3 =	vor.u32 v1, v3;
	v4 =	vld [tilespmem:s22+$0x0]  }
0xa9: {  	v6 =	vshll.u32 v8, $0x4;
	[tilespmem:v7+s15+$0x0] =	vst.idx.add.f32.msk $0xffff, v2  }
0xaa: {  	v7 =	vshll.u32 v9, $0x4;
	v6 =	vor.u32 v1, v6;
	v8 =	vld [tilespmem:s22+$0xFFFFFFC0];
	s22 =	smov.u32 s23;
	s23 =	smov.u32 s25  }
0xab: {  	v7 =	vor.u32 v1, v7;
	[tilespmem:v5+s16+$0x0] =	vst.idx.add.f32.msk $0xffff, v2  }
0xac: {  	v9 =	vld [tilespmem:s22+$0xFFFFFFF0]  }
0xad: {  	[tilespmem:v3+s16+$0x0] =	vst.idx.add.f32.msk $0xffff, v2;
	v3 =	vshll.u32 v4, $0x4  }
0xae: {  	v10 =	vld [tilespmem:s22+$0xFFFFFFB0];
	v11 =	vor.u32 v1, v3  }
.Ltmp2:
0xaf: {  	[tilespmem:v6+s15+$0x0] =	vst.idx.add.f32.msk $0xffff, v2;
	v3 =	vshll.u32 v8, $0x4;
	(pc) =	sbr.rel @p0 .LBB2_6-.Ltmp2, $4  }
0xb0: {  	v5 =	vld [tilespmem:s25+$0xFFFFFFE0];
	v3 =	vor.u32 v1, v3  }
0xb1: {  	[tilespmem:v7+s15+$0x0] =	vst.idx.add.f32.msk $0xffff, v2;
	v4 =	vshll.u32 v9, $0x4  }
0xb2: {  	v6 =	vld [tilespmem:s25+$0xFFFFFFA0];
	v4 =	vor.u32 v1, v4  }
0xb3: {  	s25 =	sadd.s32 $0x80, s25;
	v7 =	vshll.u32 v10, $0x4;
	[tilespmem:v11+s16+$0x0] =	vst.idx.add.f32.msk $0xffff, v2  }
0xb4: {  	_ = 	snop  }
0xb5: {  	v5 =	vshll.u32 v5, $0x4  }
0xb6: {  	v5 =	vor.u32 v1, v5  }
0xb7: {  	v6 =	vshll.u32 v6, $0x4  }
0xb8: {  	v6 =	vor.u32 v1, v6;
	_ =	sdelay $0x2  }
0xb9: {  	[tilespmem:v5+s16+$0x0] =	vst.idx.add.f32.msk $0xffff, v2  }
0xba: {  	v5 =	vld [tilespmem:s23+$0xFFFFFFF0]  }
0xbb: {  	[tilespmem:v6+s16+$0x0] =	vst.idx.add.f32.msk $0xffff, v2  }
0xbc: {  	v6 =	vld [tilespmem:s23+$0xFFFFFFB0]  }
0xbd: {  	v7 =	vor.u32 v1, v7;
	_ =	sdelay $0x1  }
0xbe: {  	v5 =	vshll.u32 v5, $0x4  }
0xbf: {  	v5 =	vor.u32 v1, v5  }
0xc0: {  	[tilespmem:v4+s15+$0x0] =	vst.idx.add.f32.msk $0xffff, v2;
	v4 =	vshll.u32 v6, $0x4  }
0xc1: {  	[tilespmem:v7+s15+$0x0] =	vst.idx.add.f32.msk $0xffff, v2;
	v4 =	vor.u32 v1, v4  }
0xc2: {  	v7 =	vld [tilespmem:s22+$0xFFFFFFC0]  }
0xc3: {  	v6 =	vld [tilespmem:s22+$0x0]  }
0xc4: {  	[tilespmem:v5+s15+$0x0] =	vst.idx.add.f32.msk $0xffff, v2  }
0xc5: {  	v5 =	vld [tilespmem:s23+$0x0]  }
0xc6: {  	[tilespmem:v4+s15+$0x0] =	vst.idx.add.f32.msk $0xffff, v2  }
0xc7: {  	v4 =	vld [tilespmem:s23+$0xFFFFFFC0];
	_ =	sdelay $0x1  }
0xc8: {  	v7 =	vshll.u32 v7, $0x4  }
0xc9: {  	v7 =	vor.u32 v1, v7;
	v6 =	vshll.u32 v6, $0x4  }
0xca: {  	v6 =	vor.u32 v1, v6;
	v5 =	vshll.u32 v5, $0x4  }
0xcb: {  	v5 =	vor.u32 v1, v5;
	v4 =	vshll.u32 v4, $0x4  }
0xcc: {  	v4 =	vor.u32 v1, v4  }
0xcd: {  	[tilespmem:v3+s16+$0x0] =	vst.idx.add.f32.msk $0xffff, v2  }
0xce: {  	[tilespmem:v7+s16+$0x0] =	vst.idx.add.f32.msk $0xffff, v2  }
0xcf: {  	[tilespmem:v6+s16+$0x0] =	vst.idx.add.f32.msk $0xffff, v2  }
0xd0: {  	[tilespmem:v5+s16+$0x0] =	vst.idx.add.f32.msk $0xffff, v2  }
0xd1: {  	[tilespmem:v4+s16+$0x0] =	vst.idx.add.f32.msk $0xffff, v2  }
0xd2: {  	_ =	swait.ge [sflag:s18], $0x200  }
0xd3: {  	[sflag:s18] =	ssyncset.done $0x0  }
0xd4: {  	[sflag:s18] =	ssyncadd.s32 $0xFFFFFE00  }
0xd5: {  	_ =	swait.ge [sflag:s18], $0x680  }
0xd6: {  	[sflag:s18] =	ssyncset.done $0x0  }
0xd7: {  	[sflag:s18] =	ssyncadd.s32 $0xFFFFF980  }
0xd8: {  	_ =	swait.ge [sflag:s18], $0x1A00  }
0xd9: {  	[sflag:s18] =	ssyncset.done $0x0  }
0xda: {  	[sflag:s18] =	ssyncadd.s32 $0xFFFFE600  }
0xdb: {  	v22 =	vld [tilespmem:$0x6400]  }
0xdc: {  	v9 =	vld [tilespmem:$0x6410]  }
0xdd: {  	v0 =	vld [tilespmem:$0x6420]  }
0xde: {  	v19 =	vld [tilespmem:$0x6430]  }
0xdf: {  	v26 =	vld [tilespmem:$0x6480]  }
0xe0: {  	v30 =	vld [tilespmem:$0x6490]  }
0xe1: {  	v7 =	vld [tilespmem:$0x64A0]  }
0xe2: {  	v12 =	vld [tilespmem:$0x64B0]  }
0xe3: {  	v35 =	vld [tilespmem:$0x6500]  }
0xe4: {  	v10 =	vld [tilespmem:$0x6530]  }
0xe5: {  	v36 =	vld [tilespmem:$0x6580]  }
0xe6: {  	v27 =	vld [tilespmem:$0x65A0]  }
0xe7: {  	s22 =	simm.s32 $0x7B00;
	v31 =	vld [tilespmem:$0x65B0]  }
0xe8: {  	s31 =	simm.s32 $0x0;
	v33 =	vld [tilespmem:s22+$0xFFFFF980]  }
0xe9: {  	v11 =	vld [tilespmem:s31+$0x8FA0]  }
0xea: {  	v13 =	vld [tilespmem:s31+$0x8C20]  }
0xeb: {  	v14 =	vld [tilespmem:s31+$0x9070]  }
0xec: {  	v15 =	vld [tilespmem:s31+$0x8ED0]  }
0xed: {  	v16 =	vld [tilespmem:s31+$0x8A80]  }
0xee: {  	v17 =	vld [tilespmem:s31+$0x8E00]  }
0xef: {  	v18 =	vld [tilespmem:s31+$0x8B50]  }
0xf0: {  	v20 =	vld [tilespmem:s31+$0x8CF0]  }
0xf1: {  	v8 =	vld [tilespmem:s22+$0xFFFFF9A0]  }
0xf2: {  	v23 =	vld [tilespmem:s22+$0x10]  }
0xf3: {  	[tilespmem:$0x1FFC0] =	vst v0;
	v0 =	vld [tilespmem:$0x6510]  }
0xf4: {  	s23 =	simm.s32 $0x6620;
	v37 =	vld [tilespmem:s22+$0x6B0]  }
0xf5: {  	v48 =	vld [tilespmem:s23+$0xFFFFFFE0]  }
0xf6: {  	v41 =	vld [tilespmem:s23+$0xFFFFFFF0];
	v11 =	vadd.f32 v11, v13  }
0xf7: {  	v40 =	vld [tilespmem:s22+$0xFFFFF330]  }
0xf8: {  	(xrf2) =	vadd.scan.msk.f32 $0xffff, v11;
	[tilespmem:$0x1FFD0] =	vst v0;
	v0 =	vld [tilespmem:$0x6520]  }
0xf9: {  	v42 =	vld [tilespmem:s22+$0x680]  }
0xfa: {  	v43 =	vld [tilespmem:s22+$0x30]  }
0xfb: {  	v39 =	vimm.f32 $0.0e+00;
	v34 =	vimm.f32 $0.0e+00;
	v32 =	vimm.f32 $0.0e+00;
	v45 =	vld [tilespmem:s22+$0xFFFFF990]  }
0xfc: {  	v29 =	vimm.f32 $0.0e+00;
	v24 =	vimm.f32 $0.0e+00;
	v49 =	vld [tilespmem:s22+$0x0];
	v21 =	vadd.f32 v17, v16  }
0xfd: {  	v25 =	vimm.f32 $0.0e+00;
	v17 =	vadd.f32 v14, v20;
	v13 =	vadd.f32 v15, v18;
	[tilespmem:$0x1FFE0] =	vst v0;
	v0 =	vld [tilespmem:$0x6590]  }
0xfe: {  	v28 =	vimm.f32 $0.0e+00;
	v38 =	vld [tilespmem:s23+$0x0];
	v51 =	vadd.f32 v48, v22;
	v55 =	vadd.f32 v48, v35  }
0xff: {  	v46 =	vld [tilespmem:s23+$0x10];
	v52 =	vadd.f32 v41, v30;
	v44 =	vadd.f32 v48, v36;
	v20 =	vimm.f32 $0.0e+00  }
0x100: {  	v53 =	vld [tilespmem:s22+$0xFFFFF300];
	v16 =	vimm.f32 $0.0e+00;
	v14 =	vimm.f32 $0.0e+00;
	v18 =	vimm.f32 $0.0e+00;
	(xrf2) =	vadd.scan.msk.f32 $0xffff, v13  }
0x101: {  	v47 =	vld [tilespmem:s22+$0xFFFFF9B0];
	v15 =	vimm.f32 $0.0e+00;
	v11 =	vimm.f32 $0.0e+00;
	v13 =	vimm.f32 $0.0e+00;
	(xrf2) =	vadd.scan.msk.f32 $0xffff, v17  }
0x102: {  	s26 =	simm.s32 $0x40;
	s24 =	simm.s32 $0x7B80;
	v50 =	vld [tilespmem:s22+$0x6A0];
	v17 =	vimm.f32 $0.0e+00;
	v54, _, _ =	vpop (xrf2);
	(xrf2) =	vadd.scan.msk.f32 $0xffff, v21;
	v21 =	vimm.f32 $0.0e+00;
	[tilespmem:$0x1FFF0] =	vst v0  }
.LBB2_8:
0x103: {  	v56 =	vld [tilespmem:s24+$0xFFFFF980]  }
0x104: {  	v5 =	vld [tilespmem:$0x1FFD0]  }
0x105: {  	s28 =	sshra.s32 s26, $0x2;
	v6 =	vld [tilespmem:s22+$0xFFFFF310]  }
0x106: {  	v48 =	vadd.f32 v48, v26;
	v57 =	vld [tilespmem:s28+$0x8FA0]  }
0x107: {  	v59 =	vld [tilespmem:s28+$0x8C20]  }
0x108: {  	v62 =	vld [tilespmem:s28+$0x8ED0];
	v48 =	vadd.f32 v33, v48;
	v49 =	vadd.f32 v49, v55  }
0x109: {  	v3 =	vld [tilespmem:s28+$0x8A80];
	v58 =	vadd.f32 v46, v19;
	v51 =	vadd.f32 v53, v51  }
0x10a: {  	v45 =	vadd.f32 v45, v52;
	v52 =	vld [tilespmem:s28+$0x9070];
	v53 =	vadd.f32 v41, v9  }
0x10b: {  	v63, _, _ =	vpop (xrf2);
	v60 =	vadd.f32 v46, v31;
	v42 =	vadd.f32 v42, v44;
	v44 =	vld [tilespmem:s22+$0xFFFFF320]  }
0x10c: {  	v4 =	vadd.f32 v38, v7;
	v55 =	vbroadcast v63, $0xF;
	v63 =	vadd.f32 v46, v12;
	v33 =	vmovc v56;
	v56 =	vld [tilespmem:s28+$0x8B50]  }
0x10d: {  	v60 =	vadd.f32 v37, v60;
	v37 =	vadd.f32 v57, v59;
	v57 =	vld [tilespmem:s22+$0x20]  }
0x10e: {  	v54 =	vbroadcast v54, $0xF;
	v46 =	vadd.f32 v46, v10;
	v58 =	vadd.f32 v40, v58;
	v40 =	vld [tilespmem:$0x1FFF0]  }
0x10f: {  	v0 =	vadd.f32 v38, v27;
	v4 =	vadd.f32 v8, v4;
	v8 =	vld [tilespmem:s24+$0xFFFFF9A0]  }
0x110: {  	v49 =	vmul.f32 v54, v49;
	v43 =	vadd.f32 v43, v46;
	v46 =	vadd.f32 v41, v5;
	v5 =	vld [tilespmem:$0x1FFE0]  }
0x111: {  	v0 =	vadd.f32 v50, v0;
	v47 =	vadd.f32 v47, v63;
	v63 =	vld [tilespmem:s28+$0x8CF0]  }
0x112: {  	v45 =	vmul.f32 v55, v45;
	v61, _, _ =	vpop (xrf2);
	v39 =	vadd.f32 v49, v39;
	v49 =	vld [tilespmem:s28+$0x8E00];
	v4 =	vmul.f32 v4, v55  }
0x113: {  	v61 =	vbroadcast v61, $0xF;
	v59 =	vmul.f32 v43, v54;
	v43 =	vadd.f32 v23, v46;
	v46 =	vld [tilespmem:s22+$0x690]  }
0x114: {  	v50, _, _ =	vpop (xrf2);
	v23 =	vld [tilespmem:s24+$0x10];
	v32 =	vadd.f32 v45, v32;
	v47 =	vmul.f32 v47, v55;
	v18 =	vadd.f32 v4, v18  }
0x115: {  	(xrf2) =	vadd.scan.msk.f32 $0xffff, v37;
	v37 =	vld [tilespmem:s24+$0x6B0];
	v50 =	vbroadcast v50, $0xF;
	v41 =	vadd.f32 v41, v40;
	v5 =	vadd.f32 v38, v5  }
0x116: {  	v0 =	vmul.f32 v0, v61;
	v40 =	vld [tilespmem:s24+$0xFFFFF330];
	v16 =	vadd.f32 v47, v16;
	v15 =	vadd.f32 v59, v15  }
0x117: {  	v45 =	vmul.f32 v61, v42;
	v52 =	vadd.f32 v52, v63;
	v5 =	vadd.f32 v57, v5;
	v57 =	vld [tilespmem:$0x1FFC0]  }
0x118: {  	v42 =	vld [tilespmem:s24+$0x680];
	v63 =	vadd.f32 v62, v56;
	v58 =	vmul.f32 v58, v50;
	v3 =	vadd.f32 v49, v3  }
0x119: {  	v47 =	vld [tilespmem:s24+$0xFFFFF9B0];
	v29 =	vadd.f32 v0, v29;
	v0 =	vmul.f32 v50, v51;
	v24 =	vadd.f32 v45, v24  }
0x11a: {  	s23 =	sadd.s32 $0x80, s23;
	v56 =	vmul.f32 v54, v43;
	v43 =	vld [tilespmem:s24+$0x30];
	v41 =	vadd.f32 v46, v41;
	v11 =	vadd.f32 v58, v11  }
0x11b: {  	v49 =	vmul.f32 v55, v48;
	v48 =	vld [tilespmem:s23+$0xFFFFFFE0];
	v20 =	vadd.f32 v0, v20;
	v0 =	vadd.f32 v6, v53  }
0x11c: {  	(xrf2) =	vadd.scan.msk.f32 $0xffff, v63;
	v6 =	vmul.f32 v60, v61;
	v63 =	vmul.f32 v61, v41;
	v41 =	vld [tilespmem:s23+$0xFFFFFFF0];
	v62 =	vadd.f32 v38, v57  }
0x11d: {  	p0 =	sne.s32 s26, $0x300;
	v45 =	vld [tilespmem:s24+$0xFFFFF990];
	v14 =	vadd.f32 v56, v14;
	v34 =	vadd.f32 v49, v34;
	v5 =	vmul.f32 v5, v54  }
.Ltmp3:
0x11e: {  	v46 =	vld [tilespmem:s23+$0x10];
	v17 =	vadd.f32 v6, v17;
	v38 =	vadd.f32 v44, v62;
	(pc) =	sbr.rel @p0 .LBB2_8-.Ltmp3, $4  }
0x11f: {  	v49 =	vld [tilespmem:s24+$0x0];
	v0 =	vmul.f32 v50, v0;
	v13 =	vadd.f32 v5, v13;
	v21 =	vadd.f32 v63, v21  }
0x120: {  	s25 =	smov.u32 s26;
	v53 =	vld [tilespmem:s24+$0xFFFFF300];
	v51 =	vadd.f32 v48, v22;
	v55 =	vadd.f32 v48, v35;
	v5 =	vmul.f32 v38, v50  }
0x121: {  	s25 =	sadd.s32 $0x40, s26;
	s22 =	smov.u32 s24;
	(xrf2) =	vadd.scan.msk.f32 $0xffff, v52;
	v25 =	vadd.f32 v0, v25;
	v52 =	vadd.f32 v41, v30;
	v38 =	vld [tilespmem:s23+$0x0]  }
0x122: {  	s26 =	smov.u32 s25;
	s24 =	sadd.s32 $0x80, s24;
	v54, _, _ =	vpop (xrf2);
	(xrf2) =	vadd.scan.msk.f32 $0xffff, v3;
	v44 =	vadd.f32 v48, v36;
	v50 =	vld [tilespmem:s22+$0x6A0];
	v28 =	vadd.f32 v5, v28  }
0x123: {  	v0 =	vadd.f32 v48, v26;
	v4 =	vadd.f32 v46, v19  }
0x124: {  	v63 =	vadd.f32 v45, v52;
	v9 =	vadd.f32 v41, v9  }
0x125: {  	v22 =	vadd.f32 v46, v31;
	v12 =	vadd.f32 v46, v12  }
0x126: {  	v10 =	vadd.f32 v46, v10;
	v3 =	vadd.f32 v49, v55  }
0x127: {  	v5 =	vbroadcast v54, $0xF;
	v46 =	vadd.f32 v42, v44;
	v6 =	vadd.f32 v53, v51  }
0x128: {  	v0 =	vadd.f32 v33, v0;
	v12 =	vadd.f32 v47, v12  }
0x129: {  	v10 =	vadd.f32 v43, v10;
	v4 =	vadd.f32 v40, v4;
	v51 =	vld [tilespmem:$0x1FFF0];
	v3 =	vmul.f32 v5, v3;
	v36, _, _ =	vpop (xrf2)  }
0x12a: {  	v49 =	vld [tilespmem:s22+$0x690];
	v35 =	vadd.f32 v38, v27;
	v7 =	vadd.f32 v38, v7;
	v27 =	vbroadcast v36, $0xF  }
0x12b: {  	v22 =	vadd.f32 v37, v22;
	v36 =	vld [tilespmem:$0x1FFE0];
	v10 =	vmul.f32 v10, v5;
	v3 =	vadd.f32 v3, v39  }
0x12c: {  	v26 =	vadd.f32 v50, v35;
	v35 =	vld [tilespmem:$0x1FFD0];
	v7 =	vadd.f32 v8, v7;
	v0 =	vmul.f32 v27, v0  }
0x12d: {  	v50 =	vld [tilespmem:s22+$0xFFFFF310];
	v19 =	vmul.f32 v27, v63;
	v12 =	vmul.f32 v12, v27;
	v10 =	vadd.f32 v10, v15  }
0x12e: {  	v47 =	vld [tilespmem:s22+$0x20];
	v37 =	vadd.f32 v41, v51;
	v0 =	vadd.f32 v0, v34  }
0x12f: {  	v53 =	vld [tilespmem:$0x1FFC0];
	v7 =	vmul.f32 v7, v27;
	v30, _, _ =	vpop (xrf2);
	v19 =	vadd.f32 v19, v32;
	v57 =	vadd.f32 v12, v16  }
0x130: {  	v30 =	vbroadcast v30, $0xF;
	v45, _, _ =	vpop (xrf2);
	v36 =	vadd.f32 v38, v36;
	v54 =	vadd.f32 v49, v37  }
0x131: {  	v48 =	vld [tilespmem:s22+$0xFFFFF320];
	v7 =	vadd.f32 v7, v18;
	v35 =	vadd.f32 v41, v35;
	v31 =	vbroadcast v45, $0xF  }
0x132: {  	v8 =	vadd.f32 v50, v9;
	v26 =	vmul.f32 v26, v30;
	v33 =	vmul.f32 v30, v46  }
0x133: {  	v52 =	vadd.f32 v47, v36;
	v56 =	vmul.f32 v22, v30;
	v23 =	vadd.f32 v23, v35  }
0x134: {  	v60 =	vmul.f32 v30, v54;
	v26 =	vadd.f32 v26, v29;
	v29 =	vadd.f32 v38, v53  }
0x135: {  	v6 =	vmul.f32 v31, v6;
	v4 =	vmul.f32 v4, v31;
	v24 =	vadd.f32 v33, v24  }
0x136: {  	v8 =	vmul.f32 v31, v8;
	v59 =	vadd.f32 v56, v17;
	v55 =	vadd.f32 v48, v29  }
0x137: {  	v61 =	vadd.f32 v60, v21;
	v23 =	vmul.f32 v5, v23;
	v5 =	vmul.f32 v52, v5  }
0x138: {  	v6 =	vadd.f32 v6, v20;
	v4 =	vadd.f32 v4, v11;
	v9 =	vmul.f32 v55, v31  }
0x139: {  	v8 =	vadd.f32 v8, v25;
	v5 =	vadd.f32 v5, v13  }
0x13a: {  	v0 =	vadd.f32 v0, v6;
	v9 =	vadd.f32 v9, v28  }
0x13b: {  	v58 =	vadd.f32 v23, v14;
	v8 =	vadd.f32 v19, v8  }
0x13c: {  	v0 =	vadd.f32 v3, v0;
	v3 =	vadd.f32 v7, v9  }
0x13d: {  	v4 =	vadd.f32 v57, v4;
	v62 =	vadd.f32 v58, v8  }
0x13e: {  	v0 =	vadd.f32 v24, v0;
	v3 =	vadd.f32 v5, v3  }
0x13f: {  	v4 =	vadd.f32 v10, v4;
	v63 =	vadd.f32 v61, v62  }
0x140: {  	[tilespmem:$0x8A00] =	vst v0;
	v0 =	vadd.f32 v26, v3  }
0x141: {  	s21 =	sadd.s32 $0x1, s21;
	[tilespmem:$0x8A10] =	vst v63;
	v3 =	vadd.f32 v59, v4  }
0x142: {  	p0 =	sne.s32 s21, s9;
	[tilespmem:$0x8A20] =	vst v0  }
.Ltmp4:
0x143: {  	[tilespmem:$0x8A30] =	vst v3;
	(pc) =	sbr.rel @p0 .LBB2_1-.Ltmp4, $4  }
0x144: {  	[hbm4b:s8+s5] =	stream.linear.scatter [tilespmem:s19], [sflag:$0x4], $0x80, $0x38;
	[tilespmem:$0x9180] =	vst v63  }
0x145: {  	_ =	swait.ge [sflag:s20], $0x80  }
0x146: {  	[sflag:s20] =	ssyncset.done $0x0  }
0x147: {  	v0 =	vimm.f32 $0.0e+00;
	[sflag:s20] =	ssyncadd.s32 $0xFFFFFF80  }
0x148: {  	_ =	sfence.sel $0x180000  }
0x149: {  	[bflag:$0x0] =	sbarrier.arrive $0xFFFF  }
0x14a: {  	p0 =	sne.s32 s0, $0x0;
	_ =	strace $0x90000047  }
0x14b: {  	s0 =	sadd.s32 @!p0 $0x100000, s3;
	[bflag:$0x2] =	sbarrier.arrive $0xFFFF  }
0x14c: {  	[sflag:s0] =	ssyncadd.tile.s32 @!p0 $0x1;
	_ =	shalt  }
.Lfunc_end2:
_tile_overlayer_lowered:
.L_overlay_start_2:
0x14d: {  	(tag) =	ssettag $0x2  }
0x14e: {  	s0 =	rddreg [dreg:$0x0];
	s2 =	stileid.u32  }
0x14f: {  	s1 =	rddreg [dreg:$0x1];
	p0 =	sne.s32 s2, $0x0  }
0x150: {  	s3 =	rddreg [dreg:$0x2];
	[bflag:$0x3] =	sbarrier.arrive $0xFFFF;
	s2 =	simm.s32 @!p0 $0x1C04  }
0x151: {  	[timem:s3], [sflag:s2] =	dma.local @!p0 [hbm:s0], s1  }
0x152: {  	s0 =	simm.s32 @!p0 $0x4  }
0x153: {  	_ =	swait.ge @!p0 [sflag:s0], s1  }
0x154: {  	s1 =	ssub.s32 @!p0 $0x0, s1;
	[sflag:s0] =	ssyncset.done @!p0 $0x0  }
0x155: {  	[sflag:s0] =	ssyncadd.s32 @!p0 s1  }
0x156: {  	[bflag:$0x3] =	sbarrier.arrive $0xFFFF  }
0x157: {  	_ =	shalt  }

</sc_bundles>
